<compile_context>
chip_gen: v7x
topology: tpu7x:2x2x1
jax: 0.10.2.dev20260603
libtpu: 0.0.44.dev20260713+nightly
codegen_flags: <defaults>
</compile_context>

<pallas_src>
import functools

import jax
import jax.numpy as jnp
from jax import lax
from jax.experimental import pallas as pl
from jax.experimental.pallas import tpu as pltpu
from jax.experimental.pallas import tpu_sc as plsc



def _pack_bf16_halves(y):
    D = y.shape[1]
    a = lax.bitcast_convert_type(y[:, : D // 2], jnp.uint32)
    b = lax.bitcast_convert_type(y[:, D // 2:], jnp.uint32)
    ar = (a + 0x7FFF + ((a >> 16) & 1)) >> 16
    br = (b + 0x7FFF + ((b >> 16) & 1)) >> 16
    return lax.bitcast_convert_type((br << 16) | ar, jnp.int32)


def _proj_body(x_ref, w1a_ref, w1b_ref, b1_ref, y1_ref, y2_ref):
    xb = x_ref[...]
    y1 = (
        jnp.dot(xb, w1a_ref[...], preferred_element_type=jnp.float32)
        + b1_ref[...]
    )
    y2 = jnp.dot(xb, w1b_ref[...], preferred_element_type=jnp.float32)
    y1_ref[...] = _pack_bf16_halves(y1)
    y2_ref[...] = _pack_bf16_halves(y2)


def _node_proj(x, W1a, W1b, b1):
    N, D = x.shape
    NB = 1000
    return pl.pallas_call(
        _proj_body,
        grid=(N // NB,),
        in_specs=[
            pl.BlockSpec((NB, D), lambda i: (i, 0)),
            pl.BlockSpec((D, D), lambda i: (0, 0)),
            pl.BlockSpec((D, D), lambda i: (0, 0)),
            pl.BlockSpec((1, D), lambda i: (0, 0)),
        ],
        out_specs=[
            pl.BlockSpec((NB, D // 2), lambda i: (i, 0)),
            pl.BlockSpec((NB, D // 2), lambda i: (i, 0)),
        ],
        out_shape=[jax.ShapeDtypeStruct((N, D // 2), jnp.int32)] * 2,
    )(x, W1a, W1b, b1.reshape(1, D))



_NC = 2
_NS = 16
_NW = _NC * _NS
_K = 64
_NB = 4


def _sc_gather(y1i, y2i, src2, dst2, e_pad):
    W = y1i.shape[1]
    nch = e_pad // (_NW * _K)
    pw = nch * _K
    mesh = plsc.VectorSubcoreMesh(core_axis_name="c", subcore_axis_name="s")

    @functools.partial(
        pl.kernel,
        mesh=mesh,
        out_type=[jax.ShapeDtypeStruct((e_pad, W), jnp.int32)] * 2,
        scratch_types=[
            pltpu.VMEM((nch, _K), jnp.int32),
            pltpu.VMEM((nch, _K), jnp.int32),
            [pltpu.VMEM((_K, W), jnp.int32)] * _NB,
            [pltpu.VMEM((_K, W), jnp.int32)] * _NB,
            [pltpu.SemaphoreType.DMA] * _NB,
            [pltpu.SemaphoreType.DMA] * _NB,
        ],
    )
    def gather_kernel(y1_hbm, y2_hbm, src_hbm, dst_hbm, g1_hbm, g2_hbm,
                      isa, ida, r1, r2, sg, sw):
        wid = lax.axis_index("s") * _NC + lax.axis_index("c")
        base_row = wid * nch
        base = wid * pw

        pltpu.sync_copy(src_hbm.at[pl.ds(base_row, nch)], isa)
        pltpu.sync_copy(dst_hbm.at[pl.ds(base_row, nch)], ida)

        def issue_gathers(j, b):
            pltpu.async_copy(y1_hbm.at[isa.at[j]], r1[b], sg[b])
            pltpu.async_copy(y2_hbm.at[ida.at[j]], r2[b], sg[b])

        def wait_gathers(j, b):
            pltpu.make_async_copy(y1_hbm.at[isa.at[j]], r1[b], sg[b]).wait()
            pltpu.make_async_copy(y2_hbm.at[ida.at[j]], r2[b], sg[b]).wait()

        def o1(j):
            return g1_hbm.at[pl.ds(base + j * _K, _K)]

        def o2(j):
            return g2_hbm.at[pl.ds(base + j * _K, _K)]

        def issue_writes(j, b):
            pltpu.async_copy(r1[b], o1(j), sw[b])
            pltpu.async_copy(r2[b], o2(j), sw[b])

        def wait_writes(j, b):
            pltpu.make_async_copy(r1[b], o1(j), sw[b]).wait()
            pltpu.make_async_copy(r2[b], o2(j), sw[b]).wait()

        def sub(j, b, wait_w, issue_n):
            wait_gathers(j, b)
            issue_writes(j, b)
            if issue_n:
                bn = (b + 2) % _NB
                if wait_w:
                    wait_writes(j - 2, bn)
                issue_gathers(j + 2, bn)

        issue_gathers(0, 0)
        issue_gathers(1, 1)
        sub(0, 0, wait_w=False, issue_n=True)
        sub(1, 1, wait_w=False, issue_n=True)

        def step(q, carry):
            c0 = 4 * q + 2
            sub(c0, 2, wait_w=True, issue_n=True)
            sub(c0 + 1, 3, wait_w=True, issue_n=True)
            sub(c0 + 2, 0, wait_w=True, issue_n=True)
            sub(c0 + 3, 1, wait_w=True, issue_n=True)
            return carry

        lax.fori_loop(0, (nch - 4) // 4, step, 0)

        sub(nch - 2, 2, wait_w=False, issue_n=False)
        sub(nch - 1, 3, wait_w=False, issue_n=False)
        wait_writes(nch - 4, 0)
        wait_writes(nch - 3, 1)
        wait_writes(nch - 2, 2)
        wait_writes(nch - 1, 3)

    return gather_kernel(y1i, y2i, src2, dst2)



def _unpack_lo(u):
    return lax.bitcast_convert_type(u << 16, jnp.float32)


def _unpack_hi(u):
    return lax.bitcast_convert_type(u & jnp.uint32(0xFFFF0000), jnp.float32)


def _edge_body(g1_ref, g2_ref, ea_ref, w2a_ref, w2b_ref, b2_ref, gm_ref,
               bt_ref, o_ref):
    g1 = lax.bitcast_convert_type(g1_ref[...], jnp.uint32)
    g2 = lax.bitcast_convert_type(g2_ref[...], jnp.uint32)
    ta = _unpack_lo(g1) + _unpack_lo(g2)
    tb = _unpack_hi(g1) + _unpack_hi(g2)
    ha = jnp.where(ta > 0, ta, jnp.exp(ta) - 1.0)
    hb = jnp.where(tb > 0, tb, jnp.exp(tb) - 1.0)
    score = (
        jnp.dot(ha, w2a_ref[...], preferred_element_type=jnp.float32)
        + jnp.dot(hb, w2b_ref[...], preferred_element_type=jnp.float32)
        + b2_ref[...]
    )
    r = ea_ref[...] + score
    mu = jnp.mean(r, axis=1, keepdims=True)
    c = r - mu
    var = jnp.mean(c * c, axis=1, keepdims=True)
    o_ref[...] = c * lax.rsqrt(var + 1e-5) * gm_ref[...] + bt_ref[...]


def _edge_stage(g1, g2, edge_attr, W2, b2, gamma, beta, E):
    D = edge_attr.shape[1]
    EB = 1600
    return pl.pallas_call(
        _edge_body,
        grid=(E // EB,),
        in_specs=[
            pl.BlockSpec((EB, D // 2), lambda i: (i, 0)),
            pl.BlockSpec((EB, D // 2), lambda i: (i, 0)),
            pl.BlockSpec((EB, D), lambda i: (i, 0)),
            pl.BlockSpec((D // 2, D), lambda i: (0, 0)),
            pl.BlockSpec((D // 2, D), lambda i: (0, 0)),
            pl.BlockSpec((1, D), lambda i: (0, 0)),
            pl.BlockSpec((1, D), lambda i: (0, 0)),
            pl.BlockSpec((1, D), lambda i: (0, 0)),
        ],
        out_specs=pl.BlockSpec((EB, D), lambda i: (i, 0)),
        out_shape=jax.ShapeDtypeStruct((E, D), jnp.float32),
    )(g1, g2, edge_attr, W2[: D // 2], W2[D // 2:], b2.reshape(1, D),
      gamma.reshape(1, D), beta.reshape(1, D))


def kernel(x, edge_index, edge_attr, W1, b1, W2, b2, gamma, beta):
    N, D = x.shape
    E = edge_index.shape[1]

    W1a = W1[:D]
    W1b = W1[D:]
    y1i, y2i = _node_proj(x, W1a, W1b, b1)

    quantum = _NB * _NW * _K
    e_pad = ((E + quantum - 1) // quantum) * quantum
    src = edge_index[0].astype(jnp.int32)
    dst = edge_index[1].astype(jnp.int32)
    if e_pad != E:
        pad = e_pad - E
        src = jnp.concatenate([src, jnp.zeros((pad,), jnp.int32)])
        dst = jnp.concatenate([dst, jnp.zeros((pad,), jnp.int32)])
    src2 = src.reshape(e_pad // _K, _K)
    dst2 = dst.reshape(e_pad // _K, _K)

    g1, g2 = _sc_gather(y1i, y2i, src2, dst2, e_pad)

    return _edge_stage(g1, g2, edge_attr, W2, b2, gamma, beta, E)

# --- scband reference (transcript-rebuilt; emitter-appended) ---
"""Pipeline reference for scband-edge-net-simple-layer-9869834846318 (READ-ONLY COPY).

The authoritative reference and input builder live on the scoring server;
editing this copy changes nothing except your own understanding.
"""

import jax, jax.numpy as jnp
import numpy as np

N_NODES = 10000
N_EDGES = 160000
D = 256


def setup_inputs(seed: int = 0) -> dict:
    key = jax.random.key(seed)
    ks = jax.random.split(key, 10)
    x = jax.random.normal(ks[0], (N_NODES, D), dtype=jnp.float32)
    edge_index = jax.random.randint(ks[1], (2, N_EDGES), 0, N_NODES, dtype=jnp.int64)
    edge_attr = jax.random.normal(ks[2], (N_EDGES, D), dtype=jnp.float32)
    # Linear(2*D -> D)
    s1 = 1.0 / np.sqrt(2 * D)
    W1 = jax.random.uniform(ks[3], (2 * D, D), minval=-s1, maxval=s1, dtype=jnp.float32)
    b1 = jax.random.uniform(ks[4], (D,), minval=-s1, maxval=s1, dtype=jnp.float32)
    # Linear(D -> D)  (n_out defaults to n_hidden)
    s2 = 1.0 / np.sqrt(D)
    W2 = jax.random.uniform(ks[5], (D, D), minval=-s2, maxval=s2, dtype=jnp.float32)
    b2 = jax.random.uniform(ks[6], (D,), minval=-s2, maxval=s2, dtype=jnp.float32)
    gamma = jnp.ones((D,), dtype=jnp.float32)
    beta = jnp.zeros((D,), dtype=jnp.float32)
    return {"x": x, "edge_index": edge_index, "edge_attr": edge_attr,
            "W1": W1, "b1": b1, "W2": W2, "b2": b2,
            "gamma": gamma, "beta": beta}


def _layer_norm(h, gamma, beta, eps=1e-5):
    mu = jnp.mean(h, axis=-1, keepdims=True)
    var = jnp.mean((h - mu) ** 2, axis=-1, keepdims=True)
    return (h - mu) / jnp.sqrt(var + eps) * gamma + beta


def reference(x, edge_index, edge_attr, W1, b1, W2, b2, gamma, beta):
    # apply_edges: gather src/dst node features per edge
    src = edge_index[0]
    dst = edge_index[1]
    h_u = jnp.take(x, src, axis=0)
    h_v = jnp.take(x, dst, axis=0)
    h = jnp.concatenate([h_u, h_v], axis=1)
    # MLPEdgeOneLayerPredictor.dense: Linear -> ELU -> (Dropout p=0, eval) -> Linear
    h = h @ W1 + b1
    h = jax.nn.elu(h)
    score = h @ W2 + b2
    # residual=True: norm(efeats + dropout(out)); dropout is identity in eval
    out = _layer_norm(edge_attr + score, gamma, beta)
    # forward returns outlist for each etype; single etype here -> return its output
    return out

if __name__ == "__main__":
    import jax
    _d = setup_inputs()
    print(jax.jit(kernel)(*tuple(_d.values())))

</pallas_src>

<mosaic_0001>
#map = affine_map<(d0, d1) -> (0, 0)>
module attributes {stable_mosaic.version = 14 : i64} {
  func.func @gather_kernel(%arg0: i32, %arg1: i32, %arg2: memref<10000x128xi32, #tpu.memory_space<hbm>>, %arg3: memref<10000x128xi32, #tpu.memory_space<hbm>>, %arg4: memref<2560x64xi32, #tpu.memory_space<hbm>>, %arg5: memref<2560x64xi32, #tpu.memory_space<hbm>>, %arg6: memref<163840x128xi32, #tpu.memory_space<hbm>>, %arg7: memref<163840x128xi32, #tpu.memory_space<hbm>>, %arg8: memref<80x64xi32, #tpu.memory_space<vmem>>, %arg9: memref<80x64xi32, #tpu.memory_space<vmem>>, %arg10: memref<64x128xi32, #tpu.memory_space<vmem>>, %arg11: memref<64x128xi32, #tpu.memory_space<vmem>>, %arg12: memref<64x128xi32, #tpu.memory_space<vmem>>, %arg13: memref<64x128xi32, #tpu.memory_space<vmem>>, %arg14: memref<64x128xi32, #tpu.memory_space<vmem>>, %arg15: memref<64x128xi32, #tpu.memory_space<vmem>>, %arg16: memref<64x128xi32, #tpu.memory_space<vmem>>, %arg17: memref<64x128xi32, #tpu.memory_space<vmem>>, %arg18: memref<!tpu.dma_semaphore, #tpu.memory_space<semaphore_mem>>, %arg19: memref<!tpu.dma_semaphore, #tpu.memory_space<semaphore_mem>>, %arg20: memref<!tpu.dma_semaphore, #tpu.memory_space<semaphore_mem>>, %arg21: memref<!tpu.dma_semaphore, #tpu.memory_space<semaphore_mem>>, %arg22: memref<!tpu.dma_semaphore, #tpu.memory_space<semaphore_mem>>, %arg23: memref<!tpu.dma_semaphore, #tpu.memory_space<semaphore_mem>>, %arg24: memref<!tpu.dma_semaphore, #tpu.memory_space<semaphore_mem>>, %arg25: memref<!tpu.dma_semaphore, #tpu.memory_space<semaphore_mem>>) attributes {dimension_semantics = [#tpu.dimension_semantics<core_parallel>, #tpu.dimension_semantics<subcore_parallel>], iteration_bounds = array<i64: 2, 16>, scalar_prefetch = 0 : i64, scratch_operands = 18 : i64, tpu.core_type = #tpu.core_type<sc_vector_subcore>, window_params = [{transform_indices = #map}, {transform_indices = #map}, {transform_indices = #map}, {transform_indices = #map}, {transform_indices = #map}, {transform_indices = #map}]} {
    %mul3A = arith.constant 2 : i32
    %mul3A_0 = arith.muli %arg1, %mul3A : i32
    %add3A = arith.addi %mul3A_0, %arg0 : i32
    %mul3A_1 = arith.constant 80 : i32
    %mul3A_2 = arith.muli %add3A, %mul3A_1 : i32
    %mul3A_3 = arith.constant 5120 : i32
    %mul3A_4 = arith.muli %add3A, %mul3A_3 : i32
    "tpu.region"() ({
      %run_scoped3A = tpu.sem_alloc : memref<!tpu.dma_semaphore, #tpu.memory_space<semaphore_mem>>
      %dma_start3A_216 = arith.constant 0 : i32
      %dma_start3A_217 = tpu.memref_slice %arg4[%mul3A_2, %dma_start3A_216] : memref<2560x64xi32, #tpu.memory_space<hbm>> -> memref<80x64xi32, #tpu.memory_space<hbm>>
      %dma_start3A_218 = arith.constant 0 : i32
      %dma_start3A_219 = tpu.memref_slice %arg4[%mul3A_2, %dma_start3A_218] : memref<2560x64xi32, #tpu.memory_space<hbm>> -> memref<80x64xi32, #tpu.memory_space<hbm>>
      tpu.enqueue_dma source(%dma_start3A_219 : memref<80x64xi32, #tpu.memory_space<hbm>>) target(%arg8 : memref<80x64xi32, #tpu.memory_space<vmem>>) target_semaphore(%run_scoped3A : memref<!tpu.dma_semaphore, #tpu.memory_space<semaphore_mem>>)
      %dma_wait3A_220 = arith.constant 0 : i32
      %dma_wait3A_221 = tpu.memref_slice %arg4[%mul3A_2, %dma_wait3A_220] : memref<2560x64xi32, #tpu.memory_space<hbm>> -> memref<80x64xi32, #tpu.memory_space<hbm>>
      %dma_wait3A_222 = arith.constant 0 : i32
      %dma_wait3A_223 = tpu.memref_slice %arg4[%mul3A_2, %dma_wait3A_222] : memref<2560x64xi32, #tpu.memory_space<hbm>> -> memref<80x64xi32, #tpu.memory_space<hbm>>
      tpu.wait_dma2 semaphore(%run_scoped3A : memref<!tpu.dma_semaphore, #tpu.memory_space<semaphore_mem>>) src(%dma_wait3A_223 : memref<80x64xi32, #tpu.memory_space<hbm>>) dst(%arg8 : memref<80x64xi32, #tpu.memory_space<vmem>>)
      tpu.yield
    }) : () -> ()
    "tpu.region"() ({
      %run_scoped3A = tpu.sem_alloc : memref<!tpu.dma_semaphore, #tpu.memory_space<semaphore_mem>>
      %dma_start3A_216 = arith.constant 0 : i32
      %dma_start3A_217 = tpu.memref_slice %arg5[%mul3A_2, %dma_start3A_216] : memref<2560x64xi32, #tpu.memory_space<hbm>> -> memref<80x64xi32, #tpu.memory_space<hbm>>
      %dma_start3A_218 = arith.constant 0 : i32
      %dma_start3A_219 = tpu.memref_slice %arg5[%mul3A_2, %dma_start3A_218] : memref<2560x64xi32, #tpu.memory_space<hbm>> -> memref<80x64xi32, #tpu.memory_space<hbm>>
      tpu.enqueue_dma source(%dma_start3A_219 : memref<80x64xi32, #tpu.memory_space<hbm>>) target(%arg9 : memref<80x64xi32, #tpu.memory_space<vmem>>) target_semaphore(%run_scoped3A : memref<!tpu.dma_semaphore, #tpu.memory_space<semaphore_mem>>)
      %dma_wait3A_220 = arith.constant 0 : i32
      %dma_wait3A_221 = tpu.memref_slice %arg5[%mul3A_2, %dma_wait3A_220] : memref<2560x64xi32, #tpu.memory_space<hbm>> -> memref<80x64xi32, #tpu.memory_space<hbm>>
      %dma_wait3A_222 = arith.constant 0 : i32
      %dma_wait3A_223 = tpu.memref_slice %arg5[%mul3A_2, %dma_wait3A_222] : memref<2560x64xi32, #tpu.memory_space<hbm>> -> memref<80x64xi32, #tpu.memory_space<hbm>>
      tpu.wait_dma2 semaphore(%run_scoped3A : memref<!tpu.dma_semaphore, #tpu.memory_space<semaphore_mem>>) src(%dma_wait3A_223 : memref<80x64xi32, #tpu.memory_space<hbm>>) dst(%arg9 : memref<80x64xi32, #tpu.memory_space<vmem>>)
      tpu.yield
    }) : () -> ()
    %dma_start3A = arith.constant 0 : i32
    %dma_start3A_5 = arith.constant 0 : i32
    %dma_start3A_6 = tpu.memref_slice %arg8[%dma_start3A, %dma_start3A_5] : memref<80x64xi32, #tpu.memory_space<vmem>> -> memref<1x64xi32, #tpu.memory_space<vmem>>
    %dma_start3A_7 = tpu.memref_squeeze %dma_start3A_6 : memref<1x64xi32, #tpu.memory_space<vmem>> -> memref<64xi32, #tpu.memory_space<vmem>>
    %dma_start3A_8 = arith.constant 0 : i32
    %dma_start3A_9 = arith.constant 0 : i32
    %dma_start3A_10 = tpu.memref_slice %arg2[%dma_start3A_8, %dma_start3A_9] : memref<10000x128xi32, #tpu.memory_space<hbm>> -> memref<10000x128xi32, #tpu.memory_space<hbm>>
    tpu.enqueue_indirect_dma source(%dma_start3A_10 : memref<10000x128xi32, #tpu.memory_space<hbm>>) target(%arg10 : memref<64x128xi32, #tpu.memory_space<vmem>>) offsets(%dma_start3A_7 : memref<64xi32, #tpu.memory_space<vmem>>) semaphore(%arg18 : memref<!tpu.dma_semaphore, #tpu.memory_space<semaphore_mem>>)
    %dma_start3A_11 = arith.constant 0 : i32
    %dma_start3A_12 = arith.constant 0 : i32
    %dma_start3A_13 = tpu.memref_slice %arg9[%dma_start3A_11, %dma_start3A_12] : memref<80x64xi32, #tpu.memory_space<vmem>> -> memref<1x64xi32, #tpu.memory_space<vmem>>
    %dma_start3A_14 = tpu.memref_squeeze %dma_start3A_13 : memref<1x64xi32, #tpu.memory_space<vmem>> -> memref<64xi32, #tpu.memory_space<vmem>>
    %dma_start3A_15 = arith.constant 0 : i32
    %dma_start3A_16 = arith.constant 0 : i32
    %dma_start3A_17 = tpu.memref_slice %arg3[%dma_start3A_15, %dma_start3A_16] : memref<10000x128xi32, #tpu.memory_space<hbm>> -> memref<10000x128xi32, #tpu.memory_space<hbm>>
    tpu.enqueue_indirect_dma source(%dma_start3A_17 : memref<10000x128xi32, #tpu.memory_space<hbm>>) target(%arg14 : memref<64x128xi32, #tpu.memory_space<vmem>>) offsets(%dma_start3A_14 : memref<64xi32, #tpu.memory_space<vmem>>) semaphore(%arg18 : memref<!tpu.dma_semaphore, #tpu.memory_space<semaphore_mem>>)
    %dma_start3A_18 = arith.constant 1 : i32
    %dma_start3A_19 = arith.constant 0 : i32
    %dma_start3A_20 = tpu.memref_slice %arg8[%dma_start3A_18, %dma_start3A_19] : memref<80x64xi32, #tpu.memory_space<vmem>> -> memref<1x64xi32, #tpu.memory_space<vmem>>
    %dma_start3A_21 = tpu.memref_squeeze %dma_start3A_20 : memref<1x64xi32, #tpu.memory_space<vmem>> -> memref<64xi32, #tpu.memory_space<vmem>>
    %dma_start3A_22 = arith.constant 0 : i32
    %dma_start3A_23 = arith.constant 0 : i32
    %dma_start3A_24 = tpu.memref_slice %arg2[%dma_start3A_22, %dma_start3A_23] : memref<10000x128xi32, #tpu.memory_space<hbm>> -> memref<10000x128xi32, #tpu.memory_space<hbm>>
    tpu.enqueue_indirect_dma source(%dma_start3A_24 : memref<10000x128xi32, #tpu.memory_space<hbm>>) target(%arg11 : memref<64x128xi32, #tpu.memory_space<vmem>>) offsets(%dma_start3A_21 : memref<64xi32, #tpu.memory_space<vmem>>) semaphore(%arg19 : memref<!tpu.dma_semaphore, #tpu.memory_space<semaphore_mem>>)
    %dma_start3A_25 = arith.constant 1 : i32
    %dma_start3A_26 = arith.constant 0 : i32
    %dma_start3A_27 = tpu.memref_slice %arg9[%dma_start3A_25, %dma_start3A_26] : memref<80x64xi32, #tpu.memory_space<vmem>> -> memref<1x64xi32, #tpu.memory_space<vmem>>
    %dma_start3A_28 = tpu.memref_squeeze %dma_start3A_27 : memref<1x64xi32, #tpu.memory_space<vmem>> -> memref<64xi32, #tpu.memory_space<vmem>>
    %dma_start3A_29 = arith.constant 0 : i32
    %dma_start3A_30 = arith.constant 0 : i32
    %dma_start3A_31 = tpu.memref_slice %arg3[%dma_start3A_29, %dma_start3A_30] : memref<10000x128xi32, #tpu.memory_space<hbm>> -> memref<10000x128xi32, #tpu.memory_space<hbm>>
    tpu.enqueue_indirect_dma source(%dma_start3A_31 : memref<10000x128xi32, #tpu.memory_space<hbm>>) target(%arg15 : memref<64x128xi32, #tpu.memory_space<vmem>>) offsets(%dma_start3A_28 : memref<64xi32, #tpu.memory_space<vmem>>) semaphore(%arg19 : memref<!tpu.dma_semaphore, #tpu.memory_space<semaphore_mem>>)
    %dma_wait3A = arith.constant 0 : i32
    %dma_wait3A_32 = arith.constant 0 : i32
    %dma_wait3A_33 = tpu.memref_slice %arg8[%dma_wait3A, %dma_wait3A_32] : memref<80x64xi32, #tpu.memory_space<vmem>> -> memref<1x64xi32, #tpu.memory_space<vmem>>
    %dma_wait3A_34 = tpu.memref_squeeze %dma_wait3A_33 : memref<1x64xi32, #tpu.memory_space<vmem>> -> memref<64xi32, #tpu.memory_space<vmem>>
    %dma_wait3A_35 = arith.constant 0 : i32
    %dma_wait3A_36 = arith.constant 0 : i32
    %dma_wait3A_37 = tpu.memref_slice %arg2[%dma_wait3A_35, %dma_wait3A_36] : memref<10000x128xi32, #tpu.memory_space<hbm>> -> memref<10000x128xi32, #tpu.memory_space<hbm>>
    tpu.wait_indirect_dma semaphore(%arg18 : memref<!tpu.dma_semaphore, #tpu.memory_space<semaphore_mem>>) src(%dma_wait3A_37 : memref<10000x128xi32, #tpu.memory_space<hbm>>) dst(%arg10 : memref<64x128xi32, #tpu.memory_space<vmem>>)
    %dma_wait3A_38 = arith.constant 0 : i32
    %dma_wait3A_39 = arith.constant 0 : i32
    %dma_wait3A_40 = tpu.memref_slice %arg9[%dma_wait3A_38, %dma_wait3A_39] : memref<80x64xi32, #tpu.memory_space<vmem>> -> memref<1x64xi32, #tpu.memory_space<vmem>>
    %dma_wait3A_41 = tpu.memref_squeeze %dma_wait3A_40 : memref<1x64xi32, #tpu.memory_space<vmem>> -> memref<64xi32, #tpu.memory_space<vmem>>
    %dma_wait3A_42 = arith.constant 0 : i32
    %dma_wait3A_43 = arith.constant 0 : i32
    %dma_wait3A_44 = tpu.memref_slice %arg3[%dma_wait3A_42, %dma_wait3A_43] : memref<10000x128xi32, #tpu.memory_space<hbm>> -> memref<10000x128xi32, #tpu.memory_space<hbm>>
    tpu.wait_indirect_dma semaphore(%arg18 : memref<!tpu.dma_semaphore, #tpu.memory_space<semaphore_mem>>) src(%dma_wait3A_44 : memref<10000x128xi32, #tpu.memory_space<hbm>>) dst(%arg14 : memref<64x128xi32, #tpu.memory_space<vmem>>)
    %add3A_45 = arith.constant 0 : i32
    %add3A_46 = arith.addi %mul3A_4, %add3A_45 : i32
    %dma_start3A_47 = arith.constant 0 : i32
    %dma_start3A_48 = tpu.memref_slice %arg6[%add3A_46, %dma_start3A_47] : memref<163840x128xi32, #tpu.memory_space<hbm>> -> memref<64x128xi32, #tpu.memory_space<hbm>>
    %dma_start3A_49 = arith.constant 0 : i32
    %dma_start3A_50 = tpu.memref_slice %arg6[%add3A_46, %dma_start3A_49] : memref<163840x128xi32, #tpu.memory_space<hbm>> -> memref<64x128xi32, #tpu.memory_space<hbm>>
    tpu.enqueue_dma source(%arg10 : memref<64x128xi32, #tpu.memory_space<vmem>>) target(%dma_start3A_50 : memref<64x128xi32, #tpu.memory_space<hbm>>) target_semaphore(%arg22 : memref<!tpu.dma_semaphore, #tpu.memory_space<semaphore_mem>>)
    %add3A_51 = arith.constant 0 : i32
    %add3A_52 = arith.addi %mul3A_4, %add3A_51 : i32
    %dma_start3A_53 = arith.constant 0 : i32
    %dma_start3A_54 = tpu.memref_slice %arg7[%add3A_52, %dma_start3A_53] : memref<163840x128xi32, #tpu.memory_space<hbm>> -> memref<64x128xi32, #tpu.memory_space<hbm>>
    %dma_start3A_55 = arith.constant 0 : i32
    %dma_start3A_56 = tpu.memref_slice %arg7[%add3A_52, %dma_start3A_55] : memref<163840x128xi32, #tpu.memory_space<hbm>> -> memref<64x128xi32, #tpu.memory_space<hbm>>
    tpu.enqueue_dma source(%arg14 : memref<64x128xi32, #tpu.memory_space<vmem>>) target(%dma_start3A_56 : memref<64x128xi32, #tpu.memory_space<hbm>>) target_semaphore(%arg22 : memref<!tpu.dma_semaphore, #tpu.memory_space<semaphore_mem>>)
    %dma_start3A_57 = arith.constant 2 : i32
    %dma_start3A_58 = arith.constant 0 : i32
    %dma_start3A_59 = tpu.memref_slice %arg8[%dma_start3A_57, %dma_start3A_58] : memref<80x64xi32, #tpu.memory_space<vmem>> -> memref<1x64xi32, #tpu.memory_space<vmem>>
    %dma_start3A_60 = tpu.memref_squeeze %dma_start3A_59 : memref<1x64xi32, #tpu.memory_space<vmem>> -> memref<64xi32, #tpu.memory_space<vmem>>
    %dma_start3A_61 = arith.constant 0 : i32
    %dma_start3A_62 = arith.constant 0 : i32
    %dma_start3A_63 = tpu.memref_slice %arg2[%dma_start3A_61, %dma_start3A_62] : memref<10000x128xi32, #tpu.memory_space<hbm>> -> memref<10000x128xi32, #tpu.memory_space<hbm>>
    tpu.enqueue_indirect_dma source(%dma_start3A_63 : memref<10000x128xi32, #tpu.memory_space<hbm>>) target(%arg12 : memref<64x128xi32, #tpu.memory_space<vmem>>) offsets(%dma_start3A_60 : memref<64xi32, #tpu.memory_space<vmem>>) semaphore(%arg20 : memref<!tpu.dma_semaphore, #tpu.memory_space<semaphore_mem>>)
    %dma_start3A_64 = arith.constant 2 : i32
    %dma_start3A_65 = arith.constant 0 : i32
    %dma_start3A_66 = tpu.memref_slice %arg9[%dma_start3A_64, %dma_start3A_65] : memref<80x64xi32, #tpu.memory_space<vmem>> -> memref<1x64xi32, #tpu.memory_space<vmem>>
    %dma_start3A_67 = tpu.memref_squeeze %dma_start3A_66 : memref<1x64xi32, #tpu.memory_space<vmem>> -> memref<64xi32, #tpu.memory_space<vmem>>
    %dma_start3A_68 = arith.constant 0 : i32
    %dma_start3A_69 = arith.constant 0 : i32
    %dma_start3A_70 = tpu.memref_slice %arg3[%dma_start3A_68, %dma_start3A_69] : memref<10000x128xi32, #tpu.memory_space<hbm>> -> memref<10000x128xi32, #tpu.memory_space<hbm>>
    tpu.enqueue_indirect_dma source(%dma_start3A_70 : memref<10000x128xi32, #tpu.memory_space<hbm>>) target(%arg16 : memref<64x128xi32, #tpu.memory_space<vmem>>) offsets(%dma_start3A_67 : memref<64xi32, #tpu.memory_space<vmem>>) semaphore(%arg20 : memref<!tpu.dma_semaphore, #tpu.memory_space<semaphore_mem>>)
    %dma_wait3A_71 = arith.constant 1 : i32
    %dma_wait3A_72 = arith.constant 0 : i32
    %dma_wait3A_73 = tpu.memref_slice %arg8[%dma_wait3A_71, %dma_wait3A_72] : memref<80x64xi32, #tpu.memory_space<vmem>> -> memref<1x64xi32, #tpu.memory_space<vmem>>
    %dma_wait3A_74 = tpu.memref_squeeze %dma_wait3A_73 : memref<1x64xi32, #tpu.memory_space<vmem>> -> memref<64xi32, #tpu.memory_space<vmem>>
    %dma_wait3A_75 = arith.constant 0 : i32
    %dma_wait3A_76 = arith.constant 0 : i32
    %dma_wait3A_77 = tpu.memref_slice %arg2[%dma_wait3A_75, %dma_wait3A_76] : memref<10000x128xi32, #tpu.memory_space<hbm>> -> memref<10000x128xi32, #tpu.memory_space<hbm>>
    tpu.wait_indirect_dma semaphore(%arg19 : memref<!tpu.dma_semaphore, #tpu.memory_space<semaphore_mem>>) src(%dma_wait3A_77 : memref<10000x128xi32, #tpu.memory_space<hbm>>) dst(%arg11 : memref<64x128xi32, #tpu.memory_space<vmem>>)
    %dma_wait3A_78 = arith.constant 1 : i32
    %dma_wait3A_79 = arith.constant 0 : i32
    %dma_wait3A_80 = tpu.memref_slice %arg9[%dma_wait3A_78, %dma_wait3A_79] : memref<80x64xi32, #tpu.memory_space<vmem>> -> memref<1x64xi32, #tpu.memory_space<vmem>>
    %dma_wait3A_81 = tpu.memref_squeeze %dma_wait3A_80 : memref<1x64xi32, #tpu.memory_space<vmem>> -> memref<64xi32, #tpu.memory_space<vmem>>
    %dma_wait3A_82 = arith.constant 0 : i32
    %dma_wait3A_83 = arith.constant 0 : i32
    %dma_wait3A_84 = tpu.memref_slice %arg3[%dma_wait3A_82, %dma_wait3A_83] : memref<10000x128xi32, #tpu.memory_space<hbm>> -> memref<10000x128xi32, #tpu.memory_space<hbm>>
    tpu.wait_indirect_dma semaphore(%arg19 : memref<!tpu.dma_semaphore, #tpu.memory_space<semaphore_mem>>) src(%dma_wait3A_84 : memref<10000x128xi32, #tpu.memory_space<hbm>>) dst(%arg15 : memref<64x128xi32, #tpu.memory_space<vmem>>)
    %add3A_85 = arith.constant 64 : i32
    %add3A_86 = arith.addi %mul3A_4, %add3A_85 : i32
    %dma_start3A_87 = arith.constant 0 : i32
    %dma_start3A_88 = tpu.memref_slice %arg6[%add3A_86, %dma_start3A_87] : memref<163840x128xi32, #tpu.memory_space<hbm>> -> memref<64x128xi32, #tpu.memory_space<hbm>>
    %dma_start3A_89 = arith.constant 0 : i32
    %dma_start3A_90 = tpu.memref_slice %arg6[%add3A_86, %dma_start3A_89] : memref<163840x128xi32, #tpu.memory_space<hbm>> -> memref<64x128xi32, #tpu.memory_space<hbm>>
    tpu.enqueue_dma source(%arg11 : memref<64x128xi32, #tpu.memory_space<vmem>>) target(%dma_start3A_90 : memref<64x128xi32, #tpu.memory_space<hbm>>) target_semaphore(%arg23 : memref<!tpu.dma_semaphore, #tpu.memory_space<semaphore_mem>>)
    %add3A_91 = arith.constant 64 : i32
    %add3A_92 = arith.addi %mul3A_4, %add3A_91 : i32
    %dma_start3A_93 = arith.constant 0 : i32
    %dma_start3A_94 = tpu.memref_slice %arg7[%add3A_92, %dma_start3A_93] : memref<163840x128xi32, #tpu.memory_space<hbm>> -> memref<64x128xi32, #tpu.memory_space<hbm>>
    %dma_start3A_95 = arith.constant 0 : i32
    %dma_start3A_96 = tpu.memref_slice %arg7[%add3A_92, %dma_start3A_95] : memref<163840x128xi32, #tpu.memory_space<hbm>> -> memref<64x128xi32, #tpu.memory_space<hbm>>
    tpu.enqueue_dma source(%arg15 : memref<64x128xi32, #tpu.memory_space<vmem>>) target(%dma_start3A_96 : memref<64x128xi32, #tpu.memory_space<hbm>>) target_semaphore(%arg23 : memref<!tpu.dma_semaphore, #tpu.memory_space<semaphore_mem>>)
    %dma_start3A_97 = arith.constant 3 : i32
    %dma_start3A_98 = arith.constant 0 : i32
    %dma_start3A_99 = tpu.memref_slice %arg8[%dma_start3A_97, %dma_start3A_98] : memref<80x64xi32, #tpu.memory_space<vmem>> -> memref<1x64xi32, #tpu.memory_space<vmem>>
    %dma_start3A_100 = tpu.memref_squeeze %dma_start3A_99 : memref<1x64xi32, #tpu.memory_space<vmem>> -> memref<64xi32, #tpu.memory_space<vmem>>
    %dma_start3A_101 = arith.constant 0 : i32
    %dma_start3A_102 = arith.constant 0 : i32
    %dma_start3A_103 = tpu.memref_slice %arg2[%dma_start3A_101, %dma_start3A_102] : memref<10000x128xi32, #tpu.memory_space<hbm>> -> memref<10000x128xi32, #tpu.memory_space<hbm>>
    tpu.enqueue_indirect_dma source(%dma_start3A_103 : memref<10000x128xi32, #tpu.memory_space<hbm>>) target(%arg13 : memref<64x128xi32, #tpu.memory_space<vmem>>) offsets(%dma_start3A_100 : memref<64xi32, #tpu.memory_space<vmem>>) semaphore(%arg21 : memref<!tpu.dma_semaphore, #tpu.memory_space<semaphore_mem>>)
    %dma_start3A_104 = arith.constant 3 : i32
    %dma_start3A_105 = arith.constant 0 : i32
    %dma_start3A_106 = tpu.memref_slice %arg9[%dma_start3A_104, %dma_start3A_105] : memref<80x64xi32, #tpu.memory_space<vmem>> -> memref<1x64xi32, #tpu.memory_space<vmem>>
    %dma_start3A_107 = tpu.memref_squeeze %dma_start3A_106 : memref<1x64xi32, #tpu.memory_space<vmem>> -> memref<64xi32, #tpu.memory_space<vmem>>
    %dma_start3A_108 = arith.constant 0 : i32
    %dma_start3A_109 = arith.constant 0 : i32
    %dma_start3A_110 = tpu.memref_slice %arg3[%dma_start3A_108, %dma_start3A_109] : memref<10000x128xi32, #tpu.memory_space<hbm>> -> memref<10000x128xi32, #tpu.memory_space<hbm>>
    tpu.enqueue_indirect_dma source(%dma_start3A_110 : memref<10000x128xi32, #tpu.memory_space<hbm>>) target(%arg17 : memref<64x128xi32, #tpu.memory_space<vmem>>) offsets(%dma_start3A_107 : memref<64xi32, #tpu.memory_space<vmem>>) semaphore(%arg21 : memref<!tpu.dma_semaphore, #tpu.memory_space<semaphore_mem>>)
    %scan3A = arith.constant 0 : i32
    %scan3A_111 = arith.constant 0 : i32
    %scan3A_112 = arith.constant 19 : i32
    %scan3A_113 = arith.addi %scan3A_111, %scan3A_112 : i32
    %scan3A_114 = arith.constant 1 : i32
    scf.for %scan3A_216 = %scan3A_111 to %scan3A_113 step %scan3A_114  : i32 {
      %mul3A_217 = arith.constant 4 : i32
      %mul3A_218 = arith.muli %mul3A_217, %scan3A_216 : i32
      %add3A_219 = arith.constant 2 : i32
      %add3A_220 = arith.addi %mul3A_218, %add3A_219 : i32
      %dma_wait3A_221 = arith.constant 0 : i32
      %dma_wait3A_222 = tpu.memref_slice %arg8[%add3A_220, %dma_wait3A_221] : memref<80x64xi32, #tpu.memory_space<vmem>> -> memref<1x64xi32, #tpu.memory_space<vmem>>
      %dma_wait3A_223 = tpu.memref_squeeze %dma_wait3A_222 : memref<1x64xi32, #tpu.memory_space<vmem>> -> memref<64xi32, #tpu.memory_space<vmem>>
      %dma_wait3A_224 = arith.constant 0 : i32
      %dma_wait3A_225 = arith.constant 0 : i32
      %dma_wait3A_226 = tpu.memref_slice %arg2[%dma_wait3A_224, %dma_wait3A_225] : memref<10000x128xi32, #tpu.memory_space<hbm>> -> memref<10000x128xi32, #tpu.memory_space<hbm>>
      tpu.wait_indirect_dma semaphore(%arg20 : memref<!tpu.dma_semaphore, #tpu.memory_space<semaphore_mem>>) src(%dma_wait3A_226 : memref<10000x128xi32, #tpu.memory_space<hbm>>) dst(%arg12 : memref<64x128xi32, #tpu.memory_space<vmem>>)
      %dma_wait3A_227 = arith.constant 0 : i32
      %dma_wait3A_228 = tpu.memref_slice %arg9[%add3A_220, %dma_wait3A_227] : memref<80x64xi32, #tpu.memory_space<vmem>> -> memref<1x64xi32, #tpu.memory_space<vmem>>
      %dma_wait3A_229 = tpu.memref_squeeze %dma_wait3A_228 : memref<1x64xi32, #tpu.memory_space<vmem>> -> memref<64xi32, #tpu.memory_space<vmem>>
      %dma_wait3A_230 = arith.constant 0 : i32
      %dma_wait3A_231 = arith.constant 0 : i32
      %dma_wait3A_232 = tpu.memref_slice %arg3[%dma_wait3A_230, %dma_wait3A_231] : memref<10000x128xi32, #tpu.memory_space<hbm>> -> memref<10000x128xi32, #tpu.memory_space<hbm>>
      tpu.wait_indirect_dma semaphore(%arg20 : memref<!tpu.dma_semaphore, #tpu.memory_space<semaphore_mem>>) src(%dma_wait3A_232 : memref<10000x128xi32, #tpu.memory_space<hbm>>) dst(%arg16 : memref<64x128xi32, #tpu.memory_space<vmem>>)
      %mul3A_233 = arith.constant 64 : i32
      %mul3A_234 = arith.muli %add3A_220, %mul3A_233 : i32
      %add3A_235 = arith.addi %mul3A_4, %mul3A_234 : i32
      %dma_start3A_236 = arith.constant 0 : i32
      %dma_start3A_237 = tpu.memref_slice %arg6[%add3A_235, %dma_start3A_236] : memref<163840x128xi32, #tpu.memory_space<hbm>> -> memref<64x128xi32, #tpu.memory_space<hbm>>
      %dma_start3A_238 = arith.constant 0 : i32
      %dma_start3A_239 = tpu.memref_slice %arg6[%add3A_235, %dma_start3A_238] : memref<163840x128xi32, #tpu.memory_space<hbm>> -> memref<64x128xi32, #tpu.memory_space<hbm>>
      tpu.enqueue_dma source(%arg12 : memref<64x128xi32, #tpu.memory_space<vmem>>) target(%dma_start3A_239 : memref<64x128xi32, #tpu.memory_space<hbm>>) target_semaphore(%arg24 : memref<!tpu.dma_semaphore, #tpu.memory_space<semaphore_mem>>)
      %mul3A_240 = arith.constant 64 : i32
      %mul3A_241 = arith.muli %add3A_220, %mul3A_240 : i32
      %add3A_242 = arith.addi %mul3A_4, %mul3A_241 : i32
      %dma_start3A_243 = arith.constant 0 : i32
      %dma_start3A_244 = tpu.memref_slice %arg7[%add3A_242, %dma_start3A_243] : memref<163840x128xi32, #tpu.memory_space<hbm>> -> memref<64x128xi32, #tpu.memory_space<hbm>>
      %dma_start3A_245 = arith.constant 0 : i32
      %dma_start3A_246 = tpu.memref_slice %arg7[%add3A_242, %dma_start3A_245] : memref<163840x128xi32, #tpu.memory_space<hbm>> -> memref<64x128xi32, #tpu.memory_space<hbm>>
      tpu.enqueue_dma source(%arg16 : memref<64x128xi32, #tpu.memory_space<vmem>>) target(%dma_start3A_246 : memref<64x128xi32, #tpu.memory_space<hbm>>) target_semaphore(%arg24 : memref<!tpu.dma_semaphore, #tpu.memory_space<semaphore_mem>>)
      %sub3A = arith.constant 2 : i32
      %sub3A_247 = arith.subi %add3A_220, %sub3A : i32
      %mul3A_248 = arith.constant 64 : i32
      %mul3A_249 = arith.muli %sub3A_247, %mul3A_248 : i32
      %add3A_250 = arith.addi %mul3A_4, %mul3A_249 : i32
      %dma_wait3A_251 = arith.constant 0 : i32
      %dma_wait3A_252 = tpu.memref_slice %arg6[%add3A_250, %dma_wait3A_251] : memref<163840x128xi32, #tpu.memory_space<hbm>> -> memref<64x128xi32, #tpu.memory_space<hbm>>
      %dma_wait3A_253 = arith.constant 0 : i32
      %dma_wait3A_254 = tpu.memref_slice %arg6[%add3A_250, %dma_wait3A_253] : memref<163840x128xi32, #tpu.memory_space<hbm>> -> memref<64x128xi32, #tpu.memory_space<hbm>>
      tpu.wait_dma2 semaphore(%arg22 : memref<!tpu.dma_semaphore, #tpu.memory_space<semaphore_mem>>) src(%arg10 : memref<64x128xi32, #tpu.memory_space<vmem>>) dst(%dma_wait3A_254 : memref<64x128xi32, #tpu.memory_space<hbm>>)
      %mul3A_255 = arith.constant 64 : i32
      %mul3A_256 = arith.muli %sub3A_247, %mul3A_255 : i32
      %add3A_257 = arith.addi %mul3A_4, %mul3A_256 : i32
      %dma_wait3A_258 = arith.constant 0 : i32
      %dma_wait3A_259 = tpu.memref_slice %arg7[%add3A_257, %dma_wait3A_258] : memref<163840x128xi32, #tpu.memory_space<hbm>> -> memref<64x128xi32, #tpu.memory_space<hbm>>
      %dma_wait3A_260 = arith.constant 0 : i32
      %dma_wait3A_261 = tpu.memref_slice %arg7[%add3A_257, %dma_wait3A_260] : memref<163840x128xi32, #tpu.memory_space<hbm>> -> memref<64x128xi32, #tpu.memory_space<hbm>>
      tpu.wait_dma2 semaphore(%arg22 : memref<!tpu.dma_semaphore, #tpu.memory_space<semaphore_mem>>) src(%arg14 : memref<64x128xi32, #tpu.memory_space<vmem>>) dst(%dma_wait3A_261 : memref<64x128xi32, #tpu.memory_space<hbm>>)
      %add3A_262 = arith.constant 2 : i32
      %add3A_263 = arith.addi %add3A_220, %add3A_262 : i32
      %dma_start3A_264 = arith.constant 0 : i32
      %dma_start3A_265 = tpu.memref_slice %arg8[%add3A_263, %dma_start3A_264] : memref<80x64xi32, #tpu.memory_space<vmem>> -> memref<1x64xi32, #tpu.memory_space<vmem>>
      %dma_start3A_266 = tpu.memref_squeeze %dma_start3A_265 : memref<1x64xi32, #tpu.memory_space<vmem>> -> memref<64xi32, #tpu.memory_space<vmem>>
      %dma_start3A_267 = arith.constant 0 : i32
      %dma_start3A_268 = arith.constant 0 : i32
      %dma_start3A_269 = tpu.memref_slice %arg2[%dma_start3A_267, %dma_start3A_268] : memref<10000x128xi32, #tpu.memory_space<hbm>> -> memref<10000x128xi32, #tpu.memory_space<hbm>>
      tpu.enqueue_indirect_dma source(%dma_start3A_269 : memref<10000x128xi32, #tpu.memory_space<hbm>>) target(%arg10 : memref<64x128xi32, #tpu.memory_space<vmem>>) offsets(%dma_start3A_266 : memref<64xi32, #tpu.memory_space<vmem>>) semaphore(%arg18 : memref<!tpu.dma_semaphore, #tpu.memory_space<semaphore_mem>>)
      %dma_start3A_270 = arith.constant 0 : i32
      %dma_start3A_271 = tpu.memref_slice %arg9[%add3A_263, %dma_start3A_270] : memref<80x64xi32, #tpu.memory_space<vmem>> -> memref<1x64xi32, #tpu.memory_space<vmem>>
      %dma_start3A_272 = tpu.memref_squeeze %dma_start3A_271 : memref<1x64xi32, #tpu.memory_space<vmem>> -> memref<64xi32, #tpu.memory_space<vmem>>
      %dma_start3A_273 = arith.constant 0 : i32
      %dma_start3A_274 = arith.constant 0 : i32
      %dma_start3A_275 = tpu.memref_slice %arg3[%dma_start3A_273, %dma_start3A_274] : memref<10000x128xi32, #tpu.memory_space<hbm>> -> memref<10000x128xi32, #tpu.memory_space<hbm>>
      tpu.enqueue_indirect_dma source(%dma_start3A_275 : memref<10000x128xi32, #tpu.memory_space<hbm>>) target(%arg14 : memref<64x128xi32, #tpu.memory_space<vmem>>) offsets(%dma_start3A_272 : memref<64xi32, #tpu.memory_space<vmem>>) semaphore(%arg18 : memref<!tpu.dma_semaphore, #tpu.memory_space<semaphore_mem>>)
      %add3A_276 = arith.constant 1 : i32
      %add3A_277 = arith.addi %add3A_220, %add3A_276 : i32
      %dma_wait3A_278 = arith.constant 0 : i32
      %dma_wait3A_279 = tpu.memref_slice %arg8[%add3A_277, %dma_wait3A_278] : memref<80x64xi32, #tpu.memory_space<vmem>> -> memref<1x64xi32, #tpu.memory_space<vmem>>
      %dma_wait3A_280 = tpu.memref_squeeze %dma_wait3A_279 : memref<1x64xi32, #tpu.memory_space<vmem>> -> memref<64xi32, #tpu.memory_space<vmem>>
      %dma_wait3A_281 = arith.constant 0 : i32
      %dma_wait3A_282 = arith.constant 0 : i32
      %dma_wait3A_283 = tpu.memref_slice %arg2[%dma_wait3A_281, %dma_wait3A_282] : memref<10000x128xi32, #tpu.memory_space<hbm>> -> memref<10000x128xi32, #tpu.memory_space<hbm>>
      tpu.wait_indirect_dma semaphore(%arg21 : memref<!tpu.dma_semaphore, #tpu.memory_space<semaphore_mem>>) src(%dma_wait3A_283 : memref<10000x128xi32, #tpu.memory_space<hbm>>) dst(%arg13 : memref<64x128xi32, #tpu.memory_space<vmem>>)
      %dma_wait3A_284 = arith.constant 0 : i32
      %dma_wait3A_285 = tpu.memref_slice %arg9[%add3A_277, %dma_wait3A_284] : memref<80x64xi32, #tpu.memory_space<vmem>> -> memref<1x64xi32, #tpu.memory_space<vmem>>
      %dma_wait3A_286 = tpu.memref_squeeze %dma_wait3A_285 : memref<1x64xi32, #tpu.memory_space<vmem>> -> memref<64xi32, #tpu.memory_space<vmem>>
      %dma_wait3A_287 = arith.constant 0 : i32
      %dma_wait3A_288 = arith.constant 0 : i32
      %dma_wait3A_289 = tpu.memref_slice %arg3[%dma_wait3A_287, %dma_wait3A_288] : memref<10000x128xi32, #tpu.memory_space<hbm>> -> memref<10000x128xi32, #tpu.memory_space<hbm>>
      tpu.wait_indirect_dma semaphore(%arg21 : memref<!tpu.dma_semaphore, #tpu.memory_space<semaphore_mem>>) src(%dma_wait3A_289 : memref<10000x128xi32, #tpu.memory_space<hbm>>) dst(%arg17 : memref<64x128xi32, #tpu.memory_space<vmem>>)
      %mul3A_290 = arith.constant 64 : i32
      %mul3A_291 = arith.muli %add3A_277, %mul3A_290 : i32
      %add3A_292 = arith.addi %mul3A_4, %mul3A_291 : i32
      %dma_start3A_293 = arith.constant 0 : i32
      %dma_start3A_294 = tpu.memref_slice %arg6[%add3A_292, %dma_start3A_293] : memref<163840x128xi32, #tpu.memory_space<hbm>> -> memref<64x128xi32, #tpu.memory_space<hbm>>
      %dma_start3A_295 = arith.constant 0 : i32
      %dma_start3A_296 = tpu.memref_slice %arg6[%add3A_292, %dma_start3A_295] : memref<163840x128xi32, #tpu.memory_space<hbm>> -> memref<64x128xi32, #tpu.memory_space<hbm>>
      tpu.enqueue_dma source(%arg13 : memref<64x128xi32, #tpu.memory_space<vmem>>) target(%dma_start3A_296 : memref<64x128xi32, #tpu.memory_space<hbm>>) target_semaphore(%arg25 : memref<!tpu.dma_semaphore, #tpu.memory_space<semaphore_mem>>)
      %mul3A_297 = arith.constant 64 : i32
      %mul3A_298 = arith.muli %add3A_277, %mul3A_297 : i32
      %add3A_299 = arith.addi %mul3A_4, %mul3A_298 : i32
      %dma_start3A_300 = arith.constant 0 : i32
      %dma_start3A_301 = tpu.memref_slice %arg7[%add3A_299, %dma_start3A_300] : memref<163840x128xi32, #tpu.memory_space<hbm>> -> memref<64x128xi32, #tpu.memory_space<hbm>>
      %dma_start3A_302 = arith.constant 0 : i32
      %dma_start3A_303 = tpu.memref_slice %arg7[%add3A_299, %dma_start3A_302] : memref<163840x128xi32, #tpu.memory_space<hbm>> -> memref<64x128xi32, #tpu.memory_space<hbm>>
      tpu.enqueue_dma source(%arg17 : memref<64x128xi32, #tpu.memory_space<vmem>>) target(%dma_start3A_303 : memref<64x128xi32, #tpu.memory_space<hbm>>) target_semaphore(%arg25 : memref<!tpu.dma_semaphore, #tpu.memory_space<semaphore_mem>>)
      %sub3A_304 = arith.constant 2 : i32
      %sub3A_305 = arith.subi %add3A_277, %sub3A_304 : i32
      %mul3A_306 = arith.constant 64 : i32
      %mul3A_307 = arith.muli %sub3A_305, %mul3A_306 : i32
      %add3A_308 = arith.addi %mul3A_4, %mul3A_307 : i32
      %dma_wait3A_309 = arith.constant 0 : i32
      %dma_wait3A_310 = tpu.memref_slice %arg6[%add3A_308, %dma_wait3A_309] : memref<163840x128xi32, #tpu.memory_space<hbm>> -> memref<64x128xi32, #tpu.memory_space<hbm>>
      %dma_wait3A_311 = arith.constant 0 : i32
      %dma_wait3A_312 = tpu.memref_slice %arg6[%add3A_308, %dma_wait3A_311] : memref<163840x128xi32, #tpu.memory_space<hbm>> -> memref<64x128xi32, #tpu.memory_space<hbm>>
      tpu.wait_dma2 semaphore(%arg23 : memref<!tpu.dma_semaphore, #tpu.memory_space<semaphore_mem>>) src(%arg11 : memref<64x128xi32, #tpu.memory_space<vmem>>) dst(%dma_wait3A_312 : memref<64x128xi32, #tpu.memory_space<hbm>>)
      %mul3A_313 = arith.constant 64 : i32
      %mul3A_314 = arith.muli %sub3A_305, %mul3A_313 : i32
      %add3A_315 = arith.addi %mul3A_4, %mul3A_314 : i32
      %dma_wait3A_316 = arith.constant 0 : i32
      %dma_wait3A_317 = tpu.memref_slice %arg7[%add3A_315, %dma_wait3A_316] : memref<163840x128xi32, #tpu.memory_space<hbm>> -> memref<64x128xi32, #tpu.memory_space<hbm>>
      %dma_wait3A_318 = arith.constant 0 : i32
      %dma_wait3A_319 = tpu.memref_slice %arg7[%add3A_315, %dma_wait3A_318] : memref<163840x128xi32, #tpu.memory_space<hbm>> -> memref<64x128xi32, #tpu.memory_space<hbm>>
      tpu.wait_dma2 semaphore(%arg23 : memref<!tpu.dma_semaphore, #tpu.memory_space<semaphore_mem>>) src(%arg15 : memref<64x128xi32, #tpu.memory_space<vmem>>) dst(%dma_wait3A_319 : memref<64x128xi32, #tpu.memory_space<hbm>>)
      %add3A_320 = arith.constant 2 : i32
      %add3A_321 = arith.addi %add3A_277, %add3A_320 : i32
      %dma_start3A_322 = arith.constant 0 : i32
      %dma_start3A_323 = tpu.memref_slice %arg8[%add3A_321, %dma_start3A_322] : memref<80x64xi32, #tpu.memory_space<vmem>> -> memref<1x64xi32, #tpu.memory_space<vmem>>
      %dma_start3A_324 = tpu.memref_squeeze %dma_start3A_323 : memref<1x64xi32, #tpu.memory_space<vmem>> -> memref<64xi32, #tpu.memory_space<vmem>>
      %dma_start3A_325 = arith.constant 0 : i32
      %dma_start3A_326 = arith.constant 0 : i32
      %dma_start3A_327 = tpu.memref_slice %arg2[%dma_start3A_325, %dma_start3A_326] : memref<10000x128xi32, #tpu.memory_space<hbm>> -> memref<10000x128xi32, #tpu.memory_space<hbm>>
      tpu.enqueue_indirect_dma source(%dma_start3A_327 : memref<10000x128xi32, #tpu.memory_space<hbm>>) target(%arg11 : memref<64x128xi32, #tpu.memory_space<vmem>>) offsets(%dma_start3A_324 : memref<64xi32, #tpu.memory_space<vmem>>) semaphore(%arg19 : memref<!tpu.dma_semaphore, #tpu.memory_space<semaphore_mem>>)
      %dma_start3A_328 = arith.constant 0 : i32
      %dma_start3A_329 = tpu.memref_slice %arg9[%add3A_321, %dma_start3A_328] : memref<80x64xi32, #tpu.memory_space<vmem>> -> memref<1x64xi32, #tpu.memory_space<vmem>>
      %dma_start3A_330 = tpu.memref_squeeze %dma_start3A_329 : memref<1x64xi32, #tpu.memory_space<vmem>> -> memref<64xi32, #tpu.memory_space<vmem>>
      %dma_start3A_331 = arith.constant 0 : i32
      %dma_start3A_332 = arith.constant 0 : i32
      %dma_start3A_333 = tpu.memref_slice %arg3[%dma_start3A_331, %dma_start3A_332] : memref<10000x128xi32, #tpu.memory_space<hbm>> -> memref<10000x128xi32, #tpu.memory_space<hbm>>
      tpu.enqueue_indirect_dma source(%dma_start3A_333 : memref<10000x128xi32, #tpu.memory_space<hbm>>) target(%arg15 : memref<64x128xi32, #tpu.memory_space<vmem>>) offsets(%dma_start3A_330 : memref<64xi32, #tpu.memory_space<vmem>>) semaphore(%arg19 : memref<!tpu.dma_semaphore, #tpu.memory_space<semaphore_mem>>)
      %add3A_334 = arith.constant 2 : i32
      %add3A_335 = arith.addi %add3A_220, %add3A_334 : i32
      %dma_wait3A_336 = arith.constant 0 : i32
      %dma_wait3A_337 = tpu.memref_slice %arg8[%add3A_335, %dma_wait3A_336] : memref<80x64xi32, #tpu.memory_space<vmem>> -> memref<1x64xi32, #tpu.memory_space<vmem>>
      %dma_wait3A_338 = tpu.memref_squeeze %dma_wait3A_337 : memref<1x64xi32, #tpu.memory_space<vmem>> -> memref<64xi32, #tpu.memory_space<vmem>>
      %dma_wait3A_339 = arith.constant 0 : i32
      %dma_wait3A_340 = arith.constant 0 : i32
      %dma_wait3A_341 = tpu.memref_slice %arg2[%dma_wait3A_339, %dma_wait3A_340] : memref<10000x128xi32, #tpu.memory_space<hbm>> -> memref<10000x128xi32, #tpu.memory_space<hbm>>
      tpu.wait_indirect_dma semaphore(%arg18 : memref<!tpu.dma_semaphore, #tpu.memory_space<semaphore_mem>>) src(%dma_wait3A_341 : memref<10000x128xi32, #tpu.memory_space<hbm>>) dst(%arg10 : memref<64x128xi32, #tpu.memory_space<vmem>>)
      %dma_wait3A_342 = arith.constant 0 : i32
      %dma_wait3A_343 = tpu.memref_slice %arg9[%add3A_335, %dma_wait3A_342] : memref<80x64xi32, #tpu.memory_space<vmem>> -> memref<1x64xi32, #tpu.memory_space<vmem>>
      %dma_wait3A_344 = tpu.memref_squeeze %dma_wait3A_343 : memref<1x64xi32, #tpu.memory_space<vmem>> -> memref<64xi32, #tpu.memory_space<vmem>>
      %dma_wait3A_345 = arith.constant 0 : i32
      %dma_wait3A_346 = arith.constant 0 : i32
      %dma_wait3A_347 = tpu.memref_slice %arg3[%dma_wait3A_345, %dma_wait3A_346] : memref<10000x128xi32, #tpu.memory_space<hbm>> -> memref<10000x128xi32, #tpu.memory_space<hbm>>
      tpu.wait_indirect_dma semaphore(%arg18 : memref<!tpu.dma_semaphore, #tpu.memory_space<semaphore_mem>>) src(%dma_wait3A_347 : memref<10000x128xi32, #tpu.memory_space<hbm>>) dst(%arg14 : memref<64x128xi32, #tpu.memory_space<vmem>>)
      %mul3A_348 = arith.constant 64 : i32
      %mul3A_349 = arith.muli %add3A_335, %mul3A_348 : i32
      %add3A_350 = arith.addi %mul3A_4, %mul3A_349 : i32
      %dma_start3A_351 = arith.constant 0 : i32
      %dma_start3A_352 = tpu.memref_slice %arg6[%add3A_350, %dma_start3A_351] : memref<163840x128xi32, #tpu.memory_space<hbm>> -> memref<64x128xi32, #tpu.memory_space<hbm>>
      %dma_start3A_353 = arith.constant 0 : i32
      %dma_start3A_354 = tpu.memref_slice %arg6[%add3A_350, %dma_start3A_353] : memref<163840x128xi32, #tpu.memory_space<hbm>> -> memref<64x128xi32, #tpu.memory_space<hbm>>
      tpu.enqueue_dma source(%arg10 : memref<64x128xi32, #tpu.memory_space<vmem>>) target(%dma_start3A_354 : memref<64x128xi32, #tpu.memory_space<hbm>>) target_semaphore(%arg22 : memref<!tpu.dma_semaphore, #tpu.memory_space<semaphore_mem>>)
      %mul3A_355 = arith.constant 64 : i32
      %mul3A_356 = arith.muli %add3A_335, %mul3A_355 : i32
      %add3A_357 = arith.addi %mul3A_4, %mul3A_356 : i32
      %dma_start3A_358 = arith.constant 0 : i32
      %dma_start3A_359 = tpu.memref_slice %arg7[%add3A_357, %dma_start3A_358] : memref<163840x128xi32, #tpu.memory_space<hbm>> -> memref<64x128xi32, #tpu.memory_space<hbm>>
      %dma_start3A_360 = arith.constant 0 : i32
      %dma_start3A_361 = tpu.memref_slice %arg7[%add3A_357, %dma_start3A_360] : memref<163840x128xi32, #tpu.memory_space<hbm>> -> memref<64x128xi32, #tpu.memory_space<hbm>>
      tpu.enqueue_dma source(%arg14 : memref<64x128xi32, #tpu.memory_space<vmem>>) target(%dma_start3A_361 : memref<64x128xi32, #tpu.memory_space<hbm>>) target_semaphore(%arg22 : memref<!tpu.dma_semaphore, #tpu.memory_space<semaphore_mem>>)
      %sub3A_362 = arith.constant 2 : i32
      %sub3A_363 = arith.subi %add3A_335, %sub3A_362 : i32
      %mul3A_364 = arith.constant 64 : i32
      %mul3A_365 = arith.muli %sub3A_363, %mul3A_364 : i32
      %add3A_366 = arith.addi %mul3A_4, %mul3A_365 : i32
      %dma_wait3A_367 = arith.constant 0 : i32
      %dma_wait3A_368 = tpu.memref_slice %arg6[%add3A_366, %dma_wait3A_367] : memref<163840x128xi32, #tpu.memory_space<hbm>> -> memref<64x128xi32, #tpu.memory_space<hbm>>
      %dma_wait3A_369 = arith.constant 0 : i32
      %dma_wait3A_370 = tpu.memref_slice %arg6[%add3A_366, %dma_wait3A_369] : memref<163840x128xi32, #tpu.memory_space<hbm>> -> memref<64x128xi32, #tpu.memory_space<hbm>>
      tpu.wait_dma2 semaphore(%arg24 : memref<!tpu.dma_semaphore, #tpu.memory_space<semaphore_mem>>) src(%arg12 : memref<64x128xi32, #tpu.memory_space<vmem>>) dst(%dma_wait3A_370 : memref<64x128xi32, #tpu.memory_space<hbm>>)
      %mul3A_371 = arith.constant 64 : i32
      %mul3A_372 = arith.muli %sub3A_363, %mul3A_371 : i32
      %add3A_373 = arith.addi %mul3A_4, %mul3A_372 : i32
      %dma_wait3A_374 = arith.constant 0 : i32
      %dma_wait3A_375 = tpu.memref_slice %arg7[%add3A_373, %dma_wait3A_374] : memref<163840x128xi32, #tpu.memory_space<hbm>> -> memref<64x128xi32, #tpu.memory_space<hbm>>
      %dma_wait3A_376 = arith.constant 0 : i32
      %dma_wait3A_377 = tpu.memref_slice %arg7[%add3A_373, %dma_wait3A_376] : memref<163840x128xi32, #tpu.memory_space<hbm>> -> memref<64x128xi32, #tpu.memory_space<hbm>>
      tpu.wait_dma2 semaphore(%arg24 : memref<!tpu.dma_semaphore, #tpu.memory_space<semaphore_mem>>) src(%arg16 : memref<64x128xi32, #tpu.memory_space<vmem>>) dst(%dma_wait3A_377 : memref<64x128xi32, #tpu.memory_space<hbm>>)
      %add3A_378 = arith.constant 2 : i32
      %add3A_379 = arith.addi %add3A_335, %add3A_378 : i32
      %dma_start3A_380 = arith.constant 0 : i32
      %dma_start3A_381 = tpu.memref_slice %arg8[%add3A_379, %dma_start3A_380] : memref<80x64xi32, #tpu.memory_space<vmem>> -> memref<1x64xi32, #tpu.memory_space<vmem>>
      %dma_start3A_382 = tpu.memref_squeeze %dma_start3A_381 : memref<1x64xi32, #tpu.memory_space<vmem>> -> memref<64xi32, #tpu.memory_space<vmem>>
      %dma_start3A_383 = arith.constant 0 : i32
      %dma_start3A_384 = arith.constant 0 : i32
      %dma_start3A_385 = tpu.memref_slice %arg2[%dma_start3A_383, %dma_start3A_384] : memref<10000x128xi32, #tpu.memory_space<hbm>> -> memref<10000x128xi32, #tpu.memory_space<hbm>>
      tpu.enqueue_indirect_dma source(%dma_start3A_385 : memref<10000x128xi32, #tpu.memory_space<hbm>>) target(%arg12 : memref<64x128xi32, #tpu.memory_space<vmem>>) offsets(%dma_start3A_382 : memref<64xi32, #tpu.memory_space<vmem>>) semaphore(%arg20 : memref<!tpu.dma_semaphore, #tpu.memory_space<semaphore_mem>>)
      %dma_start3A_386 = arith.constant 0 : i32
      %dma_start3A_387 = tpu.memref_slice %arg9[%add3A_379, %dma_start3A_386] : memref<80x64xi32, #tpu.memory_space<vmem>> -> memref<1x64xi32, #tpu.memory_space<vmem>>
      %dma_start3A_388 = tpu.memref_squeeze %dma_start3A_387 : memref<1x64xi32, #tpu.memory_space<vmem>> -> memref<64xi32, #tpu.memory_space<vmem>>
      %dma_start3A_389 = arith.constant 0 : i32
      %dma_start3A_390 = arith.constant 0 : i32
      %dma_start3A_391 = tpu.memref_slice %arg3[%dma_start3A_389, %dma_start3A_390] : memref<10000x128xi32, #tpu.memory_space<hbm>> -> memref<10000x128xi32, #tpu.memory_space<hbm>>
      tpu.enqueue_indirect_dma source(%dma_start3A_391 : memref<10000x128xi32, #tpu.memory_space<hbm>>) target(%arg16 : memref<64x128xi32, #tpu.memory_space<vmem>>) offsets(%dma_start3A_388 : memref<64xi32, #tpu.memory_space<vmem>>) semaphore(%arg20 : memref<!tpu.dma_semaphore, #tpu.memory_space<semaphore_mem>>)
      %add3A_392 = arith.constant 3 : i32
      %add3A_393 = arith.addi %add3A_220, %add3A_392 : i32
      %dma_wait3A_394 = arith.constant 0 : i32
      %dma_wait3A_395 = tpu.memref_slice %arg8[%add3A_393, %dma_wait3A_394] : memref<80x64xi32, #tpu.memory_space<vmem>> -> memref<1x64xi32, #tpu.memory_space<vmem>>
      %dma_wait3A_396 = tpu.memref_squeeze %dma_wait3A_395 : memref<1x64xi32, #tpu.memory_space<vmem>> -> memref<64xi32, #tpu.memory_space<vmem>>
      %dma_wait3A_397 = arith.constant 0 : i32
      %dma_wait3A_398 = arith.constant 0 : i32
      %dma_wait3A_399 = tpu.memref_slice %arg2[%dma_wait3A_397, %dma_wait3A_398] : memref<10000x128xi32, #tpu.memory_space<hbm>> -> memref<10000x128xi32, #tpu.memory_space<hbm>>
      tpu.wait_indirect_dma semaphore(%arg19 : memref<!tpu.dma_semaphore, #tpu.memory_space<semaphore_mem>>) src(%dma_wait3A_399 : memref<10000x128xi32, #tpu.memory_space<hbm>>) dst(%arg11 : memref<64x128xi32, #tpu.memory_space<vmem>>)
      %dma_wait3A_400 = arith.constant 0 : i32
      %dma_wait3A_401 = tpu.memref_slice %arg9[%add3A_393, %dma_wait3A_400] : memref<80x64xi32, #tpu.memory_space<vmem>> -> memref<1x64xi32, #tpu.memory_space<vmem>>
      %dma_wait3A_402 = tpu.memref_squeeze %dma_wait3A_401 : memref<1x64xi32, #tpu.memory_space<vmem>> -> memref<64xi32, #tpu.memory_space<vmem>>
      %dma_wait3A_403 = arith.constant 0 : i32
      %dma_wait3A_404 = arith.constant 0 : i32
      %dma_wait3A_405 = tpu.memref_slice %arg3[%dma_wait3A_403, %dma_wait3A_404] : memref<10000x128xi32, #tpu.memory_space<hbm>> -> memref<10000x128xi32, #tpu.memory_space<hbm>>
      tpu.wait_indirect_dma semaphore(%arg19 : memref<!tpu.dma_semaphore, #tpu.memory_space<semaphore_mem>>) src(%dma_wait3A_405 : memref<10000x128xi32, #tpu.memory_space<hbm>>) dst(%arg15 : memref<64x128xi32, #tpu.memory_space<vmem>>)
      %mul3A_406 = arith.constant 64 : i32
      %mul3A_407 = arith.muli %add3A_393, %mul3A_406 : i32
      %add3A_408 = arith.addi %mul3A_4, %mul3A_407 : i32
      %dma_start3A_409 = arith.constant 0 : i32
      %dma_start3A_410 = tpu.memref_slice %arg6[%add3A_408, %dma_start3A_409] : memref<163840x128xi32, #tpu.memory_space<hbm>> -> memref<64x128xi32, #tpu.memory_space<hbm>>
      %dma_start3A_411 = arith.constant 0 : i32
      %dma_start3A_412 = tpu.memref_slice %arg6[%add3A_408, %dma_start3A_411] : memref<163840x128xi32, #tpu.memory_space<hbm>> -> memref<64x128xi32, #tpu.memory_space<hbm>>
      tpu.enqueue_dma source(%arg11 : memref<64x128xi32, #tpu.memory_space<vmem>>) target(%dma_start3A_412 : memref<64x128xi32, #tpu.memory_space<hbm>>) target_semaphore(%arg23 : memref<!tpu.dma_semaphore, #tpu.memory_space<semaphore_mem>>)
      %mul3A_413 = arith.constant 64 : i32
      %mul3A_414 = arith.muli %add3A_393, %mul3A_413 : i32
      %add3A_415 = arith.addi %mul3A_4, %mul3A_414 : i32
      %dma_start3A_416 = arith.constant 0 : i32
      %dma_start3A_417 = tpu.memref_slice %arg7[%add3A_415, %dma_start3A_416] : memref<163840x128xi32, #tpu.memory_space<hbm>> -> memref<64x128xi32, #tpu.memory_space<hbm>>
      %dma_start3A_418 = arith.constant 0 : i32
      %dma_start3A_419 = tpu.memref_slice %arg7[%add3A_415, %dma_start3A_418] : memref<163840x128xi32, #tpu.memory_space<hbm>> -> memref<64x128xi32, #tpu.memory_space<hbm>>
      tpu.enqueue_dma source(%arg15 : memref<64x128xi32, #tpu.memory_space<vmem>>) target(%dma_start3A_419 : memref<64x128xi32, #tpu.memory_space<hbm>>) target_semaphore(%arg23 : memref<!tpu.dma_semaphore, #tpu.memory_space<semaphore_mem>>)
      %sub3A_420 = arith.constant 2 : i32
      %sub3A_421 = arith.subi %add3A_393, %sub3A_420 : i32
      %mul3A_422 = arith.constant 64 : i32
      %mul3A_423 = arith.muli %sub3A_421, %mul3A_422 : i32
      %add3A_424 = arith.addi %mul3A_4, %mul3A_423 : i32
      %dma_wait3A_425 = arith.constant 0 : i32
      %dma_wait3A_426 = tpu.memref_slice %arg6[%add3A_424, %dma_wait3A_425] : memref<163840x128xi32, #tpu.memory_space<hbm>> -> memref<64x128xi32, #tpu.memory_space<hbm>>
      %dma_wait3A_427 = arith.constant 0 : i32
      %dma_wait3A_428 = tpu.memref_slice %arg6[%add3A_424, %dma_wait3A_427] : memref<163840x128xi32, #tpu.memory_space<hbm>> -> memref<64x128xi32, #tpu.memory_space<hbm>>
      tpu.wait_dma2 semaphore(%arg25 : memref<!tpu.dma_semaphore, #tpu.memory_space<semaphore_mem>>) src(%arg13 : memref<64x128xi32, #tpu.memory_space<vmem>>) dst(%dma_wait3A_428 : memref<64x128xi32, #tpu.memory_space<hbm>>)
      %mul3A_429 = arith.constant 64 : i32
      %mul3A_430 = arith.muli %sub3A_421, %mul3A_429 : i32
      %add3A_431 = arith.addi %mul3A_4, %mul3A_430 : i32
      %dma_wait3A_432 = arith.constant 0 : i32
      %dma_wait3A_433 = tpu.memref_slice %arg7[%add3A_431, %dma_wait3A_432] : memref<163840x128xi32, #tpu.memory_space<hbm>> -> memref<64x128xi32, #tpu.memory_space<hbm>>
      %dma_wait3A_434 = arith.constant 0 : i32
      %dma_wait3A_435 = tpu.memref_slice %arg7[%add3A_431, %dma_wait3A_434] : memref<163840x128xi32, #tpu.memory_space<hbm>> -> memref<64x128xi32, #tpu.memory_space<hbm>>
      tpu.wait_dma2 semaphore(%arg25 : memref<!tpu.dma_semaphore, #tpu.memory_space<semaphore_mem>>) src(%arg17 : memref<64x128xi32, #tpu.memory_space<vmem>>) dst(%dma_wait3A_435 : memref<64x128xi32, #tpu.memory_space<hbm>>)
      %add3A_436 = arith.constant 2 : i32
      %add3A_437 = arith.addi %add3A_393, %add3A_436 : i32
      %dma_start3A_438 = arith.constant 0 : i32
      %dma_start3A_439 = tpu.memref_slice %arg8[%add3A_437, %dma_start3A_438] : memref<80x64xi32, #tpu.memory_space<vmem>> -> memref<1x64xi32, #tpu.memory_space<vmem>>
      %dma_start3A_440 = tpu.memref_squeeze %dma_start3A_439 : memref<1x64xi32, #tpu.memory_space<vmem>> -> memref<64xi32, #tpu.memory_space<vmem>>
      %dma_start3A_441 = arith.constant 0 : i32
      %dma_start3A_442 = arith.constant 0 : i32
      %dma_start3A_443 = tpu.memref_slice %arg2[%dma_start3A_441, %dma_start3A_442] : memref<10000x128xi32, #tpu.memory_space<hbm>> -> memref<10000x128xi32, #tpu.memory_space<hbm>>
      tpu.enqueue_indirect_dma source(%dma_start3A_443 : memref<10000x128xi32, #tpu.memory_space<hbm>>) target(%arg13 : memref<64x128xi32, #tpu.memory_space<vmem>>) offsets(%dma_start3A_440 : memref<64xi32, #tpu.memory_space<vmem>>) semaphore(%arg21 : memref<!tpu.dma_semaphore, #tpu.memory_space<semaphore_mem>>)
      %dma_start3A_444 = arith.constant 0 : i32
      %dma_start3A_445 = tpu.memref_slice %arg9[%add3A_437, %dma_start3A_444] : memref<80x64xi32, #tpu.memory_space<vmem>> -> memref<1x64xi32, #tpu.memory_space<vmem>>
      %dma_start3A_446 = tpu.memref_squeeze %dma_start3A_445 : memref<1x64xi32, #tpu.memory_space<vmem>> -> memref<64xi32, #tpu.memory_space<vmem>>
      %dma_start3A_447 = arith.constant 0 : i32
      %dma_start3A_448 = arith.constant 0 : i32
      %dma_start3A_449 = tpu.memref_slice %arg3[%dma_start3A_447, %dma_start3A_448] : memref<10000x128xi32, #tpu.memory_space<hbm>> -> memref<10000x128xi32, #tpu.memory_space<hbm>>
      tpu.enqueue_indirect_dma source(%dma_start3A_449 : memref<10000x128xi32, #tpu.memory_space<hbm>>) target(%arg17 : memref<64x128xi32, #tpu.memory_space<vmem>>) offsets(%dma_start3A_446 : memref<64xi32, #tpu.memory_space<vmem>>) semaphore(%arg21 : memref<!tpu.dma_semaphore, #tpu.memory_space<semaphore_mem>>)
    }
    %scan3A_115 = arith.constant 19 : i32
    %dma_wait3A_116 = arith.constant 78 : i32
    %dma_wait3A_117 = arith.constant 0 : i32
    %dma_wait3A_118 = tpu.memref_slice %arg8[%dma_wait3A_116, %dma_wait3A_117] : memref<80x64xi32, #tpu.memory_space<vmem>> -> memref<1x64xi32, #tpu.memory_space<vmem>>
    %dma_wait3A_119 = tpu.memref_squeeze %dma_wait3A_118 : memref<1x64xi32, #tpu.memory_space<vmem>> -> memref<64xi32, #tpu.memory_space<vmem>>
    %dma_wait3A_120 = arith.constant 0 : i32
    %dma_wait3A_121 = arith.constant 0 : i32
    %dma_wait3A_122 = tpu.memref_slice %arg2[%dma_wait3A_120, %dma_wait3A_121] : memref<10000x128xi32, #tpu.memory_space<hbm>> -> memref<10000x128xi32, #tpu.memory_space<hbm>>
    tpu.wait_indirect_dma semaphore(%arg20 : memref<!tpu.dma_semaphore, #tpu.memory_space<semaphore_mem>>) src(%dma_wait3A_122 : memref<10000x128xi32, #tpu.memory_space<hbm>>) dst(%arg12 : memref<64x128xi32, #tpu.memory_space<vmem>>)
    %dma_wait3A_123 = arith.constant 78 : i32
    %dma_wait3A_124 = arith.constant 0 : i32
    %dma_wait3A_125 = tpu.memref_slice %arg9[%dma_wait3A_123, %dma_wait3A_124] : memref<80x64xi32, #tpu.memory_space<vmem>> -> memref<1x64xi32, #tpu.memory_space<vmem>>
    %dma_wait3A_126 = tpu.memref_squeeze %dma_wait3A_125 : memref<1x64xi32, #tpu.memory_space<vmem>> -> memref<64xi32, #tpu.memory_space<vmem>>
    %dma_wait3A_127 = arith.constant 0 : i32
    %dma_wait3A_128 = arith.constant 0 : i32
    %dma_wait3A_129 = tpu.memref_slice %arg3[%dma_wait3A_127, %dma_wait3A_128] : memref<10000x128xi32, #tpu.memory_space<hbm>> -> memref<10000x128xi32, #tpu.memory_space<hbm>>
    tpu.wait_indirect_dma semaphore(%arg20 : memref<!tpu.dma_semaphore, #tpu.memory_space<semaphore_mem>>) src(%dma_wait3A_129 : memref<10000x128xi32, #tpu.memory_space<hbm>>) dst(%arg16 : memref<64x128xi32, #tpu.memory_space<vmem>>)
    %add3A_130 = arith.constant 4992 : i32
    %add3A_131 = arith.addi %mul3A_4, %add3A_130 : i32
    %dma_start3A_132 = arith.constant 0 : i32
    %dma_start3A_133 = tpu.memref_slice %arg6[%add3A_131, %dma_start3A_132] : memref<163840x128xi32, #tpu.memory_space<hbm>> -> memref<64x128xi32, #tpu.memory_space<hbm>>
    %dma_start3A_134 = arith.constant 0 : i32
    %dma_start3A_135 = tpu.memref_slice %arg6[%add3A_131, %dma_start3A_134] : memref<163840x128xi32, #tpu.memory_space<hbm>> -> memref<64x128xi32, #tpu.memory_space<hbm>>
    tpu.enqueue_dma source(%arg12 : memref<64x128xi32, #tpu.memory_space<vmem>>) target(%dma_start3A_135 : memref<64x128xi32, #tpu.memory_space<hbm>>) target_semaphore(%arg24 : memref<!tpu.dma_semaphore, #tpu.memory_space<semaphore_mem>>)
    %add3A_136 = arith.constant 4992 : i32
    %add3A_137 = arith.addi %mul3A_4, %add3A_136 : i32
    %dma_start3A_138 = arith.constant 0 : i32
    %dma_start3A_139 = tpu.memref_slice %arg7[%add3A_137, %dma_start3A_138] : memref<163840x128xi32, #tpu.memory_space<hbm>> -> memref<64x128xi32, #tpu.memory_space<hbm>>
    %dma_start3A_140 = arith.constant 0 : i32
    %dma_start3A_141 = tpu.memref_slice %arg7[%add3A_137, %dma_start3A_140] : memref<163840x128xi32, #tpu.memory_space<hbm>> -> memref<64x128xi32, #tpu.memory_space<hbm>>
    tpu.enqueue_dma source(%arg16 : memref<64x128xi32, #tpu.memory_space<vmem>>) target(%dma_start3A_141 : memref<64x128xi32, #tpu.memory_space<hbm>>) target_semaphore(%arg24 : memref<!tpu.dma_semaphore, #tpu.memory_space<semaphore_mem>>)
    %dma_wait3A_142 = arith.constant 79 : i32
    %dma_wait3A_143 = arith.constant 0 : i32
    %dma_wait3A_144 = tpu.memref_slice %arg8[%dma_wait3A_142, %dma_wait3A_143] : memref<80x64xi32, #tpu.memory_space<vmem>> -> memref<1x64xi32, #tpu.memory_space<vmem>>
    %dma_wait3A_145 = tpu.memref_squeeze %dma_wait3A_144 : memref<1x64xi32, #tpu.memory_space<vmem>> -> memref<64xi32, #tpu.memory_space<vmem>>
    %dma_wait3A_146 = arith.constant 0 : i32
    %dma_wait3A_147 = arith.constant 0 : i32
    %dma_wait3A_148 = tpu.memref_slice %arg2[%dma_wait3A_146, %dma_wait3A_147] : memref<10000x128xi32, #tpu.memory_space<hbm>> -> memref<10000x128xi32, #tpu.memory_space<hbm>>
    tpu.wait_indirect_dma semaphore(%arg21 : memref<!tpu.dma_semaphore, #tpu.memory_space<semaphore_mem>>) src(%dma_wait3A_148 : memref<10000x128xi32, #tpu.memory_space<hbm>>) dst(%arg13 : memref<64x128xi32, #tpu.memory_space<vmem>>)
    %dma_wait3A_149 = arith.constant 79 : i32
    %dma_wait3A_150 = arith.constant 0 : i32
    %dma_wait3A_151 = tpu.memref_slice %arg9[%dma_wait3A_149, %dma_wait3A_150] : memref<80x64xi32, #tpu.memory_space<vmem>> -> memref<1x64xi32, #tpu.memory_space<vmem>>
    %dma_wait3A_152 = tpu.memref_squeeze %dma_wait3A_151 : memref<1x64xi32, #tpu.memory_space<vmem>> -> memref<64xi32, #tpu.memory_space<vmem>>
    %dma_wait3A_153 = arith.constant 0 : i32
    %dma_wait3A_154 = arith.constant 0 : i32
    %dma_wait3A_155 = tpu.memref_slice %arg3[%dma_wait3A_153, %dma_wait3A_154] : memref<10000x128xi32, #tpu.memory_space<hbm>> -> memref<10000x128xi32, #tpu.memory_space<hbm>>
    tpu.wait_indirect_dma semaphore(%arg21 : memref<!tpu.dma_semaphore, #tpu.memory_space<semaphore_mem>>) src(%dma_wait3A_155 : memref<10000x128xi32, #tpu.memory_space<hbm>>) dst(%arg17 : memref<64x128xi32, #tpu.memory_space<vmem>>)
    %add3A_156 = arith.constant 5056 : i32
    %add3A_157 = arith.addi %mul3A_4, %add3A_156 : i32
    %dma_start3A_158 = arith.constant 0 : i32
    %dma_start3A_159 = tpu.memref_slice %arg6[%add3A_157, %dma_start3A_158] : memref<163840x128xi32, #tpu.memory_space<hbm>> -> memref<64x128xi32, #tpu.memory_space<hbm>>
    %dma_start3A_160 = arith.constant 0 : i32
    %dma_start3A_161 = tpu.memref_slice %arg6[%add3A_157, %dma_start3A_160] : memref<163840x128xi32, #tpu.memory_space<hbm>> -> memref<64x128xi32, #tpu.memory_space<hbm>>
    tpu.enqueue_dma source(%arg13 : memref<64x128xi32, #tpu.memory_space<vmem>>) target(%dma_start3A_161 : memref<64x128xi32, #tpu.memory_space<hbm>>) target_semaphore(%arg25 : memref<!tpu.dma_semaphore, #tpu.memory_space<semaphore_mem>>)
    %add3A_162 = arith.constant 5056 : i32
    %add3A_163 = arith.addi %mul3A_4, %add3A_162 : i32
    %dma_start3A_164 = arith.constant 0 : i32
    %dma_start3A_165 = tpu.memref_slice %arg7[%add3A_163, %dma_start3A_164] : memref<163840x128xi32, #tpu.memory_space<hbm>> -> memref<64x128xi32, #tpu.memory_space<hbm>>
    %dma_start3A_166 = arith.constant 0 : i32
    %dma_start3A_167 = tpu.memref_slice %arg7[%add3A_163, %dma_start3A_166] : memref<163840x128xi32, #tpu.memory_space<hbm>> -> memref<64x128xi32, #tpu.memory_space<hbm>>
    tpu.enqueue_dma source(%arg17 : memref<64x128xi32, #tpu.memory_space<vmem>>) target(%dma_start3A_167 : memref<64x128xi32, #tpu.memory_space<hbm>>) target_semaphore(%arg25 : memref<!tpu.dma_semaphore, #tpu.memory_space<semaphore_mem>>)
    %add3A_168 = arith.constant 4864 : i32
    %add3A_169 = arith.addi %mul3A_4, %add3A_168 : i32
    %dma_wait3A_170 = arith.constant 0 : i32
    %dma_wait3A_171 = tpu.memref_slice %arg6[%add3A_169, %dma_wait3A_170] : memref<163840x128xi32, #tpu.memory_space<hbm>> -> memref<64x128xi32, #tpu.memory_space<hbm>>
    %dma_wait3A_172 = arith.constant 0 : i32
    %dma_wait3A_173 = tpu.memref_slice %arg6[%add3A_169, %dma_wait3A_172] : memref<163840x128xi32, #tpu.memory_space<hbm>> -> memref<64x128xi32, #tpu.memory_space<hbm>>
    tpu.wait_dma2 semaphore(%arg22 : memref<!tpu.dma_semaphore, #tpu.memory_space<semaphore_mem>>) src(%arg10 : memref<64x128xi32, #tpu.memory_space<vmem>>) dst(%dma_wait3A_173 : memref<64x128xi32, #tpu.memory_space<hbm>>)
    %add3A_174 = arith.constant 4864 : i32
    %add3A_175 = arith.addi %mul3A_4, %add3A_174 : i32
    %dma_wait3A_176 = arith.constant 0 : i32
    %dma_wait3A_177 = tpu.memref_slice %arg7[%add3A_175, %dma_wait3A_176] : memref<163840x128xi32, #tpu.memory_space<hbm>> -> memref<64x128xi32, #tpu.memory_space<hbm>>
    %dma_wait3A_178 = arith.constant 0 : i32
    %dma_wait3A_179 = tpu.memref_slice %arg7[%add3A_175, %dma_wait3A_178] : memref<163840x128xi32, #tpu.memory_space<hbm>> -> memref<64x128xi32, #tpu.memory_space<hbm>>
    tpu.wait_dma2 semaphore(%arg22 : memref<!tpu.dma_semaphore, #tpu.memory_space<semaphore_mem>>) src(%arg14 : memref<64x128xi32, #tpu.memory_space<vmem>>) dst(%dma_wait3A_179 : memref<64x128xi32, #tpu.memory_space<hbm>>)
    %add3A_180 = arith.constant 4928 : i32
    %add3A_181 = arith.addi %mul3A_4, %add3A_180 : i32
    %dma_wait3A_182 = arith.constant 0 : i32
    %dma_wait3A_183 = tpu.memref_slice %arg6[%add3A_181, %dma_wait3A_182] : memref<163840x128xi32, #tpu.memory_space<hbm>> -> memref<64x128xi32, #tpu.memory_space<hbm>>
    %dma_wait3A_184 = arith.constant 0 : i32
    %dma_wait3A_185 = tpu.memref_slice %arg6[%add3A_181, %dma_wait3A_184] : memref<163840x128xi32, #tpu.memory_space<hbm>> -> memref<64x128xi32, #tpu.memory_space<hbm>>
    tpu.wait_dma2 semaphore(%arg23 : memref<!tpu.dma_semaphore, #tpu.memory_space<semaphore_mem>>) src(%arg11 : memref<64x128xi32, #tpu.memory_space<vmem>>) dst(%dma_wait3A_185 : memref<64x128xi32, #tpu.memory_space<hbm>>)
    %add3A_186 = arith.constant 4928 : i32
    %add3A_187 = arith.addi %mul3A_4, %add3A_186 : i32
    %dma_wait3A_188 = arith.constant 0 : i32
    %dma_wait3A_189 = tpu.memref_slice %arg7[%add3A_187, %dma_wait3A_188] : memref<163840x128xi32, #tpu.memory_space<hbm>> -> memref<64x128xi32, #tpu.memory_space<hbm>>
    %dma_wait3A_190 = arith.constant 0 : i32
    %dma_wait3A_191 = tpu.memref_slice %arg7[%add3A_187, %dma_wait3A_190] : memref<163840x128xi32, #tpu.memory_space<hbm>> -> memref<64x128xi32, #tpu.memory_space<hbm>>
    tpu.wait_dma2 semaphore(%arg23 : memref<!tpu.dma_semaphore, #tpu.memory_space<semaphore_mem>>) src(%arg15 : memref<64x128xi32, #tpu.memory_space<vmem>>) dst(%dma_wait3A_191 : memref<64x128xi32, #tpu.memory_space<hbm>>)
    %add3A_192 = arith.constant 4992 : i32
    %add3A_193 = arith.addi %mul3A_4, %add3A_192 : i32
    %dma_wait3A_194 = arith.constant 0 : i32
    %dma_wait3A_195 = tpu.memref_slice %arg6[%add3A_193, %dma_wait3A_194] : memref<163840x128xi32, #tpu.memory_space<hbm>> -> memref<64x128xi32, #tpu.memory_space<hbm>>
    %dma_wait3A_196 = arith.constant 0 : i32
    %dma_wait3A_197 = tpu.memref_slice %arg6[%add3A_193, %dma_wait3A_196] : memref<163840x128xi32, #tpu.memory_space<hbm>> -> memref<64x128xi32, #tpu.memory_space<hbm>>
    tpu.wait_dma2 semaphore(%arg24 : memref<!tpu.dma_semaphore, #tpu.memory_space<semaphore_mem>>) src(%arg12 : memref<64x128xi32, #tpu.memory_space<vmem>>) dst(%dma_wait3A_197 : memref<64x128xi32, #tpu.memory_space<hbm>>)
    %add3A_198 = arith.constant 4992 : i32
    %add3A_199 = arith.addi %mul3A_4, %add3A_198 : i32
    %dma_wait3A_200 = arith.constant 0 : i32
    %dma_wait3A_201 = tpu.memref_slice %arg7[%add3A_199, %dma_wait3A_200] : memref<163840x128xi32, #tpu.memory_space<hbm>> -> memref<64x128xi32, #tpu.memory_space<hbm>>
    %dma_wait3A_202 = arith.constant 0 : i32
    %dma_wait3A_203 = tpu.memref_slice %arg7[%add3A_199, %dma_wait3A_202] : memref<163840x128xi32, #tpu.memory_space<hbm>> -> memref<64x128xi32, #tpu.memory_space<hbm>>
    tpu.wait_dma2 semaphore(%arg24 : memref<!tpu.dma_semaphore, #tpu.memory_space<semaphore_mem>>) src(%arg16 : memref<64x128xi32, #tpu.memory_space<vmem>>) dst(%dma_wait3A_203 : memref<64x128xi32, #tpu.memory_space<hbm>>)
    %add3A_204 = arith.constant 5056 : i32
    %add3A_205 = arith.addi %mul3A_4, %add3A_204 : i32
    %dma_wait3A_206 = arith.constant 0 : i32
    %dma_wait3A_207 = tpu.memref_slice %arg6[%add3A_205, %dma_wait3A_206] : memref<163840x128xi32, #tpu.memory_space<hbm>> -> memref<64x128xi32, #tpu.memory_space<hbm>>
    %dma_wait3A_208 = arith.constant 0 : i32
    %dma_wait3A_209 = tpu.memref_slice %arg6[%add3A_205, %dma_wait3A_208] : memref<163840x128xi32, #tpu.memory_space<hbm>> -> memref<64x128xi32, #tpu.memory_space<hbm>>
    tpu.wait_dma2 semaphore(%arg25 : memref<!tpu.dma_semaphore, #tpu.memory_space<semaphore_mem>>) src(%arg13 : memref<64x128xi32, #tpu.memory_space<vmem>>) dst(%dma_wait3A_209 : memref<64x128xi32, #tpu.memory_space<hbm>>)
    %add3A_210 = arith.constant 5056 : i32
    %add3A_211 = arith.addi %mul3A_4, %add3A_210 : i32
    %dma_wait3A_212 = arith.constant 0 : i32
    %dma_wait3A_213 = tpu.memref_slice %arg7[%add3A_211, %dma_wait3A_212] : memref<163840x128xi32, #tpu.memory_space<hbm>> -> memref<64x128xi32, #tpu.memory_space<hbm>>
    %dma_wait3A_214 = arith.constant 0 : i32
    %dma_wait3A_215 = tpu.memref_slice %arg7[%add3A_211, %dma_wait3A_214] : memref<163840x128xi32, #tpu.memory_space<hbm>> -> memref<64x128xi32, #tpu.memory_space<hbm>>
    tpu.wait_dma2 semaphore(%arg25 : memref<!tpu.dma_semaphore, #tpu.memory_space<semaphore_mem>>) src(%arg17 : memref<64x128xi32, #tpu.memory_space<vmem>>) dst(%dma_wait3A_215 : memref<64x128xi32, #tpu.memory_space<hbm>>)
    return
  }
}

module attributes {stable_mosaic.version = 14 : i64} {
  func.func @_proj_body(%arg0: i32, %arg1: memref<1000x256xf32, #tpu.memory_space<vmem>>, %arg2: memref<256x256xf32, #tpu.memory_space<vmem>>, %arg3: memref<256x256xf32, #tpu.memory_space<vmem>>, %arg4: memref<1x256xf32, #tpu.memory_space<vmem>>, %arg5: memref<1000x128xi32, #tpu.memory_space<vmem>>, %arg6: memref<1000x128xi32, #tpu.memory_space<vmem>>) attributes {dimension_semantics = [#tpu.dimension_semantics<arbitrary>], iteration_bounds = array<i64: 10>, scalar_prefetch = 0 : i64, scratch_operands = 0 : i64, tpu.core_type = #tpu.core_type<tc>, window_params = [{transform_indices = @transform_0, window_bounds = array<i64: 1000, 256>}, {pipeline_mode = #tpu.pipeline_mode<synchronous>, transform_indices = @transform_1, window_bounds = array<i64: 256, 256>}, {pipeline_mode = #tpu.pipeline_mode<synchronous>, transform_indices = @transform_2, window_bounds = array<i64: 256, 256>}, {pipeline_mode = #tpu.pipeline_mode<synchronous>, transform_indices = @transform_3, window_bounds = array<i64: 1, 256>}, {transform_indices = @transform_4, window_bounds = array<i64: 1000, 128>}, {transform_indices = @transform_5, window_bounds = array<i64: 1000, 128>}]} {
    %get3A = arith.constant 0 : index
    %get3A_0 = arith.constant 0 : index
    %get3A_1 = vector.load %arg1[%get3A, %get3A_0] : memref<1000x256xf32, #tpu.memory_space<vmem>>, vector<1000x256xf32>
    %get3A_2 = arith.constant 0 : index
    %get3A_3 = arith.constant 0 : index
    %get3A_4 = vector.load %arg2[%get3A_2, %get3A_3] : memref<256x256xf32, #tpu.memory_space<vmem>>, vector<256x256xf32>
    %dot_general3A = arith.constant dense<0.000000e+00> : vector<1000x256xf32>
    %dot_general3A_5 = tpu.matmul %get3A_1, %get3A_4, %dot_general3A {dimension_numbers = #tpu.dot_dimension_numbers<[1], [0], [0], [1], [0, 0, 1, 1], [], []>, transpose_lhs_hint = false} : vector<1000x256xf32>, vector<256x256xf32>, vector<1000x256xf32> -> vector<1000x256xf32>
    %get3A_6 = arith.constant 0 : index
    %get3A_7 = arith.constant 0 : index
    %get3A_8 = vector.load %arg4[%get3A_6, %get3A_7] : memref<1x256xf32, #tpu.memory_space<vmem>>, vector<1x256xf32>
    %add3A = vector.broadcast %get3A_8 : vector<1x256xf32> to vector<1000x256xf32>
    %add3A_9 = arith.addf %dot_general3A_5, %add3A : vector<1000x256xf32>
    %get3A_10 = arith.constant 0 : index
    %get3A_11 = arith.constant 0 : index
    %get3A_12 = vector.load %arg3[%get3A_10, %get3A_11] : memref<256x256xf32, #tpu.memory_space<vmem>>, vector<256x256xf32>
    %dot_general3A_13 = arith.constant dense<0.000000e+00> : vector<1000x256xf32>
    %dot_general3A_14 = tpu.matmul %get3A_1, %get3A_12, %dot_general3A_13 {dimension_numbers = #tpu.dot_dimension_numbers<[1], [0], [0], [1], [0, 0, 1, 1], [], []>, transpose_lhs_hint = false} : vector<1000x256xf32>, vector<256x256xf32>, vector<1000x256xf32> -> vector<1000x256xf32>
    %slice3A = vector.extract_strided_slice %add3A_9 {offsets = [0, 0], sizes = [1000, 128], strides = [1, 1]} : vector<1000x256xf32> to vector<1000x128xf32>
    %bitcast_convert_type3A = tpu.bitcast %slice3A : vector<1000x128xf32> -> vector<1000x128xi32>
    %slice3A_15 = vector.extract_strided_slice %add3A_9 {offsets = [0, 128], sizes = [1000, 128], strides = [1, 1]} : vector<1000x256xf32> to vector<1000x128xf32>
    %bitcast_convert_type3A_16 = tpu.bitcast %slice3A_15 : vector<1000x128xf32> -> vector<1000x128xi32>
    %add3A_17 = arith.constant 32767 : i32
    %add3A_18 = vector.broadcast %add3A_17 : i32 to vector<1000x128xi32>
    %add3A_19 = arith.addi %bitcast_convert_type3A, %add3A_18 : vector<1000x128xi32>
    %shift_right_logical3A = arith.constant 16 : i32
    %shift_right_logical3A_20 = vector.broadcast %shift_right_logical3A : i32 to vector<1000x128xi32>
    %shift_right_logical3A_21 = arith.shrui %bitcast_convert_type3A, %shift_right_logical3A_20 : vector<1000x128xi32>
    %and3A = arith.constant 1 : i32
    %and3A_22 = vector.broadcast %and3A : i32 to vector<1000x128xi32>
    %and3A_23 = arith.andi %shift_right_logical3A_21, %and3A_22 : vector<1000x128xi32>
    %add3A_24 = arith.addi %add3A_19, %and3A_23 : vector<1000x128xi32>
    %shift_right_logical3A_25 = arith.constant 16 : i32
    %shift_right_logical3A_26 = vector.broadcast %shift_right_logical3A_25 : i32 to vector<1000x128xi32>
    %shift_right_logical3A_27 = arith.shrui %add3A_24, %shift_right_logical3A_26 : vector<1000x128xi32>
    %add3A_28 = arith.constant 32767 : i32
    %add3A_29 = vector.broadcast %add3A_28 : i32 to vector<1000x128xi32>
    %add3A_30 = arith.addi %bitcast_convert_type3A_16, %add3A_29 : vector<1000x128xi32>
    %shift_right_logical3A_31 = arith.constant 16 : i32
    %shift_right_logical3A_32 = vector.broadcast %shift_right_logical3A_31 : i32 to vector<1000x128xi32>
    %shift_right_logical3A_33 = arith.shrui %bitcast_convert_type3A_16, %shift_right_logical3A_32 : vector<1000x128xi32>
    %and3A_34 = arith.constant 1 : i32
    %and3A_35 = vector.broadcast %and3A_34 : i32 to vector<1000x128xi32>
    %and3A_36 = arith.andi %shift_right_logical3A_33, %and3A_35 : vector<1000x128xi32>
    %add3A_37 = arith.addi %add3A_30, %and3A_36 : vector<1000x128xi32>
    %shift_right_logical3A_38 = arith.constant 16 : i32
    %shift_right_logical3A_39 = vector.broadcast %shift_right_logical3A_38 : i32 to vector<1000x128xi32>
    %shift_right_logical3A_40 = arith.shrui %add3A_37, %shift_right_logical3A_39 : vector<1000x128xi32>
    %shift_left3A = arith.constant 16 : i32
    %shift_left3A_41 = vector.broadcast %shift_left3A : i32 to vector<1000x128xi32>
    %shift_left3A_42 = arith.shli %shift_right_logical3A_40, %shift_left3A_41 : vector<1000x128xi32>
    %or3A = arith.ori %shift_left3A_42, %shift_right_logical3A_27 : vector<1000x128xi32>
    %bitcast_convert_type3A_43 = tpu.bitcast %or3A : vector<1000x128xi32> -> vector<1000x128xi32>
    %swap3A = arith.constant 0 : index
    %swap3A_44 = arith.constant 0 : index
    %swap3A_45 = vector.load %arg5[%swap3A, %swap3A_44] : memref<1000x128xi32, #tpu.memory_space<vmem>>, vector<1000x128xi32>
    tpu.vector_store %arg5[%swap3A, %swap3A_44], %bitcast_convert_type3A_43 {strides = array<i32>} : memref<1000x128xi32, #tpu.memory_space<vmem>>, vector<1000x128xi32>,
    %slice3A_46 = vector.extract_strided_slice %dot_general3A_14 {offsets = [0, 0], sizes = [1000, 128], strides = [1, 1]} : vector<1000x256xf32> to vector<1000x128xf32>
    %bitcast_convert_type3A_47 = tpu.bitcast %slice3A_46 : vector<1000x128xf32> -> vector<1000x128xi32>
    %slice3A_48 = vector.extract_strided_slice %dot_general3A_14 {offsets = [0, 128], sizes = [1000, 128], strides = [1, 1]} : vector<1000x256xf32> to vector<1000x128xf32>
    %bitcast_convert_type3A_49 = tpu.bitcast %slice3A_48 : vector<1000x128xf32> -> vector<1000x128xi32>
    %add3A_50 = arith.constant 32767 : i32
    %add3A_51 = vector.broadcast %add3A_50 : i32 to vector<1000x128xi32>
    %add3A_52 = arith.addi %bitcast_convert_type3A_47, %add3A_51 : vector<1000x128xi32>
    %shift_right_logical3A_53 = arith.constant 16 : i32
    %shift_right_logical3A_54 = vector.broadcast %shift_right_logical3A_53 : i32 to vector<1000x128xi32>
    %shift_right_logical3A_55 = arith.shrui %bitcast_convert_type3A_47, %shift_right_logical3A_54 : vector<1000x128xi32>
    %and3A_56 = arith.constant 1 : i32
    %and3A_57 = vector.broadcast %and3A_56 : i32 to vector<1000x128xi32>
    %and3A_58 = arith.andi %shift_right_logical3A_55, %and3A_57 : vector<1000x128xi32>
    %add3A_59 = arith.addi %add3A_52, %and3A_58 : vector<1000x128xi32>
    %shift_right_logical3A_60 = arith.constant 16 : i32
    %shift_right_logical3A_61 = vector.broadcast %shift_right_logical3A_60 : i32 to vector<1000x128xi32>
    %shift_right_logical3A_62 = arith.shrui %add3A_59, %shift_right_logical3A_61 : vector<1000x128xi32>
    %add3A_63 = arith.constant 32767 : i32
    %add3A_64 = vector.broadcast %add3A_63 : i32 to vector<1000x128xi32>
    %add3A_65 = arith.addi %bitcast_convert_type3A_49, %add3A_64 : vector<1000x128xi32>
    %shift_right_logical3A_66 = arith.constant 16 : i32
    %shift_right_logical3A_67 = vector.broadcast %shift_right_logical3A_66 : i32 to vector<1000x128xi32>
    %shift_right_logical3A_68 = arith.shrui %bitcast_convert_type3A_49, %shift_right_logical3A_67 : vector<1000x128xi32>
    %and3A_69 = arith.constant 1 : i32
    %and3A_70 = vector.broadcast %and3A_69 : i32 to vector<1000x128xi32>
    %and3A_71 = arith.andi %shift_right_logical3A_68, %and3A_70 : vector<1000x128xi32>
    %add3A_72 = arith.addi %add3A_65, %and3A_71 : vector<1000x128xi32>
    %shift_right_logical3A_73 = arith.constant 16 : i32
    %shift_right_logical3A_74 = vector.broadcast %shift_right_logical3A_73 : i32 to vector<1000x128xi32>
    %shift_right_logical3A_75 = arith.shrui %add3A_72, %shift_right_logical3A_74 : vector<1000x128xi32>
    %shift_left3A_76 = arith.constant 16 : i32
    %shift_left3A_77 = vector.broadcast %shift_left3A_76 : i32 to vector<1000x128xi32>
    %shift_left3A_78 = arith.shli %shift_right_logical3A_75, %shift_left3A_77 : vector<1000x128xi32>
    %or3A_79 = arith.ori %shift_left3A_78, %shift_right_logical3A_62 : vector<1000x128xi32>
    %bitcast_convert_type3A_80 = tpu.bitcast %or3A_79 : vector<1000x128xi32> -> vector<1000x128xi32>
    %swap3A_81 = arith.constant 0 : index
    %swap3A_82 = arith.constant 0 : index
    %swap3A_83 = vector.load %arg6[%swap3A_81, %swap3A_82] : memref<1000x128xi32, #tpu.memory_space<vmem>>, vector<1000x128xi32>
    tpu.vector_store %arg6[%swap3A_81, %swap3A_82], %bitcast_convert_type3A_80 {strides = array<i32>} : memref<1000x128xi32, #tpu.memory_space<vmem>>, vector<1000x128xi32>,
    return
  }
  func.func @transform_0(%arg0: i32) -> (i32, i32) {
    %c0_i32 = arith.constant 0 : i32
    %c0_i32_0 = arith.constant 0 : i32
    return %arg0, %c0_i32 : i32, i32
  }
  func.func @transform_1(%arg0: i32) -> (i32, i32) {
    %c0_i32 = arith.constant 0 : i32
    %c0_i32_0 = arith.constant 0 : i32
    %c0_i32_1 = arith.constant 0 : i32
    return %c0_i32, %c0_i32_0 : i32, i32
  }
  func.func @transform_2(%arg0: i32) -> (i32, i32) {
    %c0_i32 = arith.constant 0 : i32
    %c0_i32_0 = arith.constant 0 : i32
    %c0_i32_1 = arith.constant 0 : i32
    return %c0_i32, %c0_i32_0 : i32, i32
  }
  func.func @transform_3(%arg0: i32) -> (i32, i32) {
    %c0_i32 = arith.constant 0 : i32
    %c0_i32_0 = arith.constant 0 : i32
    %c0_i32_1 = arith.constant 0 : i32
    return %c0_i32, %c0_i32_0 : i32, i32
  }
  func.func @transform_4(%arg0: i32) -> (i32, i32) {
    %c0_i32 = arith.constant 0 : i32
    %c0_i32_0 = arith.constant 0 : i32
    return %arg0, %c0_i32 : i32, i32
  }
  func.func @transform_5(%arg0: i32) -> (i32, i32) {
    %c0_i32 = arith.constant 0 : i32
    %c0_i32_0 = arith.constant 0 : i32
    return %arg0, %c0_i32 : i32, i32
  }
}

module attributes {stable_mosaic.version = 14 : i64} {
  func.func @_edge_body(%arg0: i32, %arg1: memref<1600x128xi32, #tpu.memory_space<vmem>>, %arg2: memref<1600x128xi32, #tpu.memory_space<vmem>>, %arg3: memref<1600x256xf32, #tpu.memory_space<vmem>>, %arg4: memref<128x256xf32, #tpu.memory_space<vmem>>, %arg5: memref<128x256xf32, #tpu.memory_space<vmem>>, %arg6: memref<1x256xf32, #tpu.memory_space<vmem>>, %arg7: memref<1x256xf32, #tpu.memory_space<vmem>>, %arg8: memref<1x256xf32, #tpu.memory_space<vmem>>, %arg9: memref<1600x256xf32, #tpu.memory_space<vmem>>) attributes {dimension_semantics = [#tpu.dimension_semantics<arbitrary>], iteration_bounds = array<i64: 100>, scalar_prefetch = 0 : i64, scratch_operands = 0 : i64, tpu.core_type = #tpu.core_type<tc>, window_params = [{transform_indices = @transform_0, window_bounds = array<i64: 1600, 128>}, {transform_indices = @transform_1, window_bounds = array<i64: 1600, 128>}, {transform_indices = @transform_2, window_bounds = array<i64: 1600, 256>}, {pipeline_mode = #tpu.pipeline_mode<synchronous>, transform_indices = @transform_3, window_bounds = array<i64: 128, 256>}, {pipeline_mode = #tpu.pipeline_mode<synchronous>, transform_indices = @transform_4, window_bounds = array<i64: 128, 256>}, {pipeline_mode = #tpu.pipeline_mode<synchronous>, transform_indices = @transform_5, window_bounds = array<i64: 1, 256>}, {pipeline_mode = #tpu.pipeline_mode<synchronous>, transform_indices = @transform_6, window_bounds = array<i64: 1, 256>}, {pipeline_mode = #tpu.pipeline_mode<synchronous>, transform_indices = @transform_7, window_bounds = array<i64: 1, 256>}, {transform_indices = @transform_8, window_bounds = array<i64: 1600, 256>}]} {
    %get3A = arith.constant 0 : index
    %get3A_0 = arith.constant 0 : index
    %get3A_1 = vector.load %arg1[%get3A, %get3A_0] : memref<1600x128xi32, #tpu.memory_space<vmem>>, vector<1600x128xi32>
    %bitcast_convert_type3A = tpu.bitcast %get3A_1 : vector<1600x128xi32> -> vector<1600x128xi32>
    %get3A_2 = arith.constant 0 : index
    %get3A_3 = arith.constant 0 : index
    %get3A_4 = vector.load %arg2[%get3A_2, %get3A_3] : memref<1600x128xi32, #tpu.memory_space<vmem>>, vector<1600x128xi32>
    %bitcast_convert_type3A_5 = tpu.bitcast %get3A_4 : vector<1600x128xi32> -> vector<1600x128xi32>
    %shift_left3A = arith.constant 16 : i32
    %shift_left3A_6 = vector.broadcast %shift_left3A : i32 to vector<1600x128xi32>
    %shift_left3A_7 = arith.shli %bitcast_convert_type3A, %shift_left3A_6 : vector<1600x128xi32>
    %bitcast_convert_type3A_8 = tpu.bitcast %shift_left3A_7 : vector<1600x128xi32> -> vector<1600x128xf32>
    %shift_left3A_9 = arith.constant 16 : i32
    %shift_left3A_10 = vector.broadcast %shift_left3A_9 : i32 to vector<1600x128xi32>
    %shift_left3A_11 = arith.shli %bitcast_convert_type3A_5, %shift_left3A_10 : vector<1600x128xi32>
    %bitcast_convert_type3A_12 = tpu.bitcast %shift_left3A_11 : vector<1600x128xi32> -> vector<1600x128xf32>
    %add3A = arith.addf %bitcast_convert_type3A_8, %bitcast_convert_type3A_12 : vector<1600x128xf32>
    %and3A = arith.constant -65536 : i32
    %and3A_13 = vector.broadcast %and3A : i32 to vector<1600x128xi32>
    %and3A_14 = arith.andi %bitcast_convert_type3A, %and3A_13 : vector<1600x128xi32>
    %bitcast_convert_type3A_15 = tpu.bitcast %and3A_14 : vector<1600x128xi32> -> vector<1600x128xf32>
    %and3A_16 = arith.constant -65536 : i32
    %and3A_17 = vector.broadcast %and3A_16 : i32 to vector<1600x128xi32>
    %and3A_18 = arith.andi %bitcast_convert_type3A_5, %and3A_17 : vector<1600x128xi32>
    %bitcast_convert_type3A_19 = tpu.bitcast %and3A_18 : vector<1600x128xi32> -> vector<1600x128xf32>
    %add3A_20 = arith.addf %bitcast_convert_type3A_15, %bitcast_convert_type3A_19 : vector<1600x128xf32>
    %gt3A = arith.constant 0.000000e+00 : f32
    %gt3A_21 = vector.broadcast %gt3A : f32 to vector<1600x128xf32>
    %gt3A_22 = arith.cmpf ogt, %add3A, %gt3A_21 : vector<1600x128xf32>
    %exp3A = math.exp %add3A : vector<1600x128xf32>
    %sub3A = arith.constant 1.000000e+00 : f32
    %sub3A_23 = vector.broadcast %sub3A : f32 to vector<1600x128xf32>
    %sub3A_24 = arith.subf %exp3A, %sub3A_23 : vector<1600x128xf32>
    %select_n3A = arith.select %gt3A_22, %add3A, %sub3A_24 : vector<1600x128xi1>, vector<1600x128xf32>
    %gt3A_25 = arith.constant 0.000000e+00 : f32
    %gt3A_26 = vector.broadcast %gt3A_25 : f32 to vector<1600x128xf32>
    %gt3A_27 = arith.cmpf ogt, %add3A_20, %gt3A_26 : vector<1600x128xf32>
    %exp3A_28 = math.exp %add3A_20 : vector<1600x128xf32>
    %sub3A_29 = arith.constant 1.000000e+00 : f32
    %sub3A_30 = vector.broadcast %sub3A_29 : f32 to vector<1600x128xf32>
    %sub3A_31 = arith.subf %exp3A_28, %sub3A_30 : vector<1600x128xf32>
    %select_n3A_32 = arith.select %gt3A_27, %add3A_20, %sub3A_31 : vector<1600x128xi1>, vector<1600x128xf32>
    %get3A_33 = arith.constant 0 : index
    %get3A_34 = arith.constant 0 : index
    %get3A_35 = vector.load %arg4[%get3A_33, %get3A_34] : memref<128x256xf32, #tpu.memory_space<vmem>>, vector<128x256xf32>
    %dot_general3A = arith.constant dense<0.000000e+00> : vector<1600x256xf32>
    %dot_general3A_36 = tpu.matmul %select_n3A, %get3A_35, %dot_general3A {dimension_numbers = #tpu.dot_dimension_numbers<[1], [0], [0], [1], [0, 0, 1, 1], [], []>, transpose_lhs_hint = false} : vector<1600x128xf32>, vector<128x256xf32>, vector<1600x256xf32> -> vector<1600x256xf32>
    %get3A_37 = arith.constant 0 : index
    %get3A_38 = arith.constant 0 : index
    %get3A_39 = vector.load %arg5[%get3A_37, %get3A_38] : memref<128x256xf32, #tpu.memory_space<vmem>>, vector<128x256xf32>
    %dot_general3A_40 = arith.constant dense<0.000000e+00> : vector<1600x256xf32>
    %dot_general3A_41 = tpu.matmul %select_n3A_32, %get3A_39, %dot_general3A_40 {dimension_numbers = #tpu.dot_dimension_numbers<[1], [0], [0], [1], [0, 0, 1, 1], [], []>, transpose_lhs_hint = false} : vector<1600x128xf32>, vector<128x256xf32>, vector<1600x256xf32> -> vector<1600x256xf32>
    %add3A_42 = arith.addf %dot_general3A_36, %dot_general3A_41 : vector<1600x256xf32>
    %get3A_43 = arith.constant 0 : index
    %get3A_44 = arith.constant 0 : index
    %get3A_45 = vector.load %arg6[%get3A_43, %get3A_44] : memref<1x256xf32, #tpu.memory_space<vmem>>, vector<1x256xf32>
    %add3A_46 = vector.broadcast %get3A_45 : vector<1x256xf32> to vector<1600x256xf32>
    %add3A_47 = arith.addf %add3A_42, %add3A_46 : vector<1600x256xf32>
    %get3A_48 = arith.constant 0 : index
    %get3A_49 = arith.constant 0 : index
    %get3A_50 = vector.load %arg3[%get3A_48, %get3A_49] : memref<1600x256xf32, #tpu.memory_space<vmem>>, vector<1600x256xf32>
    %add3A_51 = arith.addf %get3A_50, %add3A_47 : vector<1600x256xf32>
    %reduce_sum3A = arith.constant dense<0.000000e+00> : vector<1600xf32>
    %reduce_sum3A_52 = vector.multi_reduction <add>, %add3A_51, %reduce_sum3A [1] : vector<1600x256xf32> to vector<1600xf32>
    %broadcast_in_dim3A = vector.shape_cast %reduce_sum3A_52 : vector<1600xf32> to vector<1600x1xf32>
    %div3A = arith.constant 2.560000e+02 : f32
    %div3A_53 = vector.broadcast %div3A : f32 to vector<1600x1xf32>
    %div3A_54 = arith.divf %broadcast_in_dim3A, %div3A_53 : vector<1600x1xf32>
    %sub3A_55 = vector.broadcast %div3A_54 : vector<1600x1xf32> to vector<1600x256xf32>
    %sub3A_56 = arith.subf %add3A_51, %sub3A_55 : vector<1600x256xf32>
    %mul3A = arith.mulf %sub3A_56, %sub3A_56 : vector<1600x256xf32>
    %reduce_sum3A_57 = arith.constant dense<0.000000e+00> : vector<1600xf32>
    %reduce_sum3A_58 = vector.multi_reduction <add>, %mul3A, %reduce_sum3A_57 [1] : vector<1600x256xf32> to vector<1600xf32>
    %broadcast_in_dim3A_59 = vector.shape_cast %reduce_sum3A_58 : vector<1600xf32> to vector<1600x1xf32>
    %div3A_60 = arith.constant 2.560000e+02 : f32
    %div3A_61 = vector.broadcast %div3A_60 : f32 to vector<1600x1xf32>
    %div3A_62 = arith.divf %broadcast_in_dim3A_59, %div3A_61 : vector<1600x1xf32>
    %add3A_63 = arith.constant 9.99999974E-6 : f32
    %add3A_64 = vector.broadcast %add3A_63 : f32 to vector<1600x1xf32>
    %add3A_65 = arith.addf %div3A_62, %add3A_64 : vector<1600x1xf32>
    %rsqrt3A = math.rsqrt %add3A_65 : vector<1600x1xf32>
    %mul3A_66 = vector.broadcast %rsqrt3A : vector<1600x1xf32> to vector<1600x256xf32>
    %mul3A_67 = arith.mulf %sub3A_56, %mul3A_66 : vector<1600x256xf32>
    %get3A_68 = arith.constant 0 : index
    %get3A_69 = arith.constant 0 : index
    %get3A_70 = vector.load %arg7[%get3A_68, %get3A_69] : memref<1x256xf32, #tpu.memory_space<vmem>>, vector<1x256xf32>
    %mul3A_71 = vector.broadcast %get3A_70 : vector<1x256xf32> to vector<1600x256xf32>
    %mul3A_72 = arith.mulf %mul3A_67, %mul3A_71 : vector<1600x256xf32>
    %get3A_73 = arith.constant 0 : index
    %get3A_74 = arith.constant 0 : index
    %get3A_75 = vector.load %arg8[%get3A_73, %get3A_74] : memref<1x256xf32, #tpu.memory_space<vmem>>, vector<1x256xf32>
    %add3A_76 = vector.broadcast %get3A_75 : vector<1x256xf32> to vector<1600x256xf32>
    %add3A_77 = arith.addf %mul3A_72, %add3A_76 : vector<1600x256xf32>
    %swap3A = arith.constant 0 : index
    %swap3A_78 = arith.constant 0 : index
    %swap3A_79 = vector.load %arg9[%swap3A, %swap3A_78] : memref<1600x256xf32, #tpu.memory_space<vmem>>, vector<1600x256xf32>
    tpu.vector_store %arg9[%swap3A, %swap3A_78], %add3A_77 {strides = array<i32>} : memref<1600x256xf32, #tpu.memory_space<vmem>>, vector<1600x256xf32>,
    return
  }
  func.func @transform_0(%arg0: i32) -> (i32, i32) {
    %c0_i32 = arith.constant 0 : i32
    %c0_i32_0 = arith.constant 0 : i32
    return %arg0, %c0_i32 : i32, i32
  }
  func.func @transform_1(%arg0: i32) -> (i32, i32) {
    %c0_i32 = arith.constant 0 : i32
    %c0_i32_0 = arith.constant 0 : i32
    return %arg0, %c0_i32 : i32, i32
  }
  func.func @transform_2(%arg0: i32) -> (i32, i32) {
    %c0_i32 = arith.constant 0 : i32
    %c0_i32_0 = arith.constant 0 : i32
    return %arg0, %c0_i32 : i32, i32
  }
  func.func @transform_3(%arg0: i32) -> (i32, i32) {
    %c0_i32 = arith.constant 0 : i32
    %c0_i32_0 = arith.constant 0 : i32
    %c0_i32_1 = arith.constant 0 : i32
    return %c0_i32, %c0_i32_0 : i32, i32
  }
  func.func @transform_4(%arg0: i32) -> (i32, i32) {
    %c0_i32 = arith.constant 0 : i32
    %c0_i32_0 = arith.constant 0 : i32
    %c0_i32_1 = arith.constant 0 : i32
    return %c0_i32, %c0_i32_0 : i32, i32
  }
  func.func @transform_5(%arg0: i32) -> (i32, i32) {
    %c0_i32 = arith.constant 0 : i32
    %c0_i32_0 = arith.constant 0 : i32
    %c0_i32_1 = arith.constant 0 : i32
    return %c0_i32, %c0_i32_0 : i32, i32
  }
  func.func @transform_6(%arg0: i32) -> (i32, i32) {
    %c0_i32 = arith.constant 0 : i32
    %c0_i32_0 = arith.constant 0 : i32
    %c0_i32_1 = arith.constant 0 : i32
    return %c0_i32, %c0_i32_0 : i32, i32
  }
  func.func @transform_7(%arg0: i32) -> (i32, i32) {
    %c0_i32 = arith.constant 0 : i32
    %c0_i32_0 = arith.constant 0 : i32
    %c0_i32_1 = arith.constant 0 : i32
    return %c0_i32, %c0_i32_0 : i32, i32
  }
  func.func @transform_8(%arg0: i32) -> (i32, i32) {
    %c0_i32 = arith.constant 0 : i32
    %c0_i32_0 = arith.constant 0 : i32
    return %arg0, %c0_i32 : i32, i32
  }
}

</mosaic_0001>

<sc_bundles>
// kernel: kernel.5.cloned.1.call-start
scs
__scs_entry_jumppad:
0x0: {  	(pc) =	sbr.rel $0x88, $3  }
0x1: {  	(tag) =	ssettag $0x0;
	lr =	simm.s32 $0x1  }
0x2: {  	[smem:$0x3F98] =	sst lr;
	_ =	strace $0xD0000000  }
0x3: {  	_ = 	snop  }
0x4: {  	_ = 	snop  }
0x5: {  	_ = 	snop  }
0x6: {  	_ = 	snop  }
0x7: {  	_ = 	snop  }
__scs_overlays_trampoline_lowered:
0x8: {  	[smem:$0x3FA7] =	sst s0  }
0x9: {  	[smem:$0x3FA8] =	sst s1  }
0xa: {  	[smem:$0x3FA9] =	sst s2  }
0xb: {  	[smem:$0x3FAA] =	sst s3  }
0xc: {  	[smem:$0x3FAB] =	sst s4  }
0xd: {  	[smem:$0x3FAC] =	sst s5  }
0xe: {  	[smem:$0x3FAD] =	sst s6  }
0xf: {  	[smem:$0x3FAE] =	sst s7  }
0x10: {  	[smem:$0x3FAF] =	sst s8  }
0x11: {  	[smem:$0x3FB0] =	sst s9;
	s0 =	simm.s32 @!p0 $0x0  }
0x12: {  	s1 =	sld [smem:$0x3F96];
	s0 =	simm.s32 @p0 $0x1  }
0x13: {  	[smem:$0x3FB1] =	sst s0;
	s0 =	simm.s32 @!p1 $0x0  }
0x14: {  	s2 =	sld [smem:$0x3F95];
	s0 =	simm.s32 @p1 $0x1  }
0x15: {  	[smem:$0x3FB2] =	sst s0;
	s0 =	simm.s32 @!p2 $0x0  }
0x16: {  	s3 =	sld [smem:$0x3FDB];
	s0 =	simm.s32 @p2 $0x1  }
0x17: {  	s4 =	simm.s32 $0x1BF5;
	[smem:$0x3FB4] =	sst s0  }
0x18: {  	s0 =	sld [smem:$0x3F97];
	_ =	swait.ge [sflag:s4], $0x0  }
0x19: {  	s7 =	sld [smem:$0x3F98]  }
0x1a: {  	s8 =	sadd.s32 $0xFFFFE003, lr  }
0x1b: {  	s9 =	sadd.s32 $0xFFFFFEF7, lr;
	s5 =	simm.s32 $0xFFFFFFFF;
	p2 =	slt.u32 s8, $0xFFFFF086  }
0x1c: {  	p1 =	slt.u32 s9, $0xF7A;
	s5 =	simm.s32 @!p2 $0x0  }
0x1d: {  	s5 =	simm.s32 @p1 $0x1;
	p0 =	seq.s32 s7, s2  }
0x1e: {  	s7 =	smul.u32 @!p0 $0xF7A, s2;
	p2 =	seq.s32 @!p0 s5, $0x0  }
0x1f: {  	s9 =	smul.u32 $0xF7A, s1;
	s8 =	simm.s32 @!p0 $0x1BF5;
	p2 =	por !p2, p0  }
0x20: {  	[sflag:s8] =	ssyncset.s32 @!p0 $0xFFFFF086;
	s6 =	sadd.s32 @!p0 s3, s7;
	s7 =	simm.s32 @!p0 $0x108  }
0x21: {  	s3 =	sadd.s32 s3, s9;
	s6 =	sadd.s32 @!p0 $0x88, s6;
	s7 =	simm.s32 @p2 $0x1082  }
0x22: {  	[simem:s7], [sflag:s8] =	dma.local @!p0 [hbm:s6], $0xF7A  }
0x23: {  	s9 =	sor.u32 $0xD0000000, s2;
	s6 =	simm.s32 $0x108;
	_ =	swait.ge @!p0 [sflag:s8], $0x0  }
0x24: {  	s3 =	sadd.s32 $0x88, s3;
	s6 =	simm.s32 @!p1 $0x1082;
	[sflag:s4] =	ssyncset.s32 $0xFFFFF086  }
0x25: {  	[simem:s6], [sflag:s4] =	dma.local [hbm:s3], $0xF7A  }
0x26: {  	[smem:$0x3F98] =	sst s1;
	(tag) =	ssettag s2;
	_ =	strace s9  }
0x27: {  	s1 =	sld [smem:$0x3FA8]  }
0x28: {  	s2 =	sld [smem:$0x3FA9]  }
0x29: {  	s4 =	sld [smem:$0x3FAB]  }
0x2a: {  	p0 =	seq.s32 s5, $0x0;
	s5 =	sld [smem:$0x3FAC]  }
0x2b: {  	s6 =	sld [smem:$0x3FAD]  }
0x2c: {  	s7 =	sld [smem:$0x3FAE]  }
0x2d: {  	s3 =	simm.s32 $0x108;
	s8 =	sld [smem:$0x3FAF]  }
0x2e: {  	s3 =	simm.s32 @!p0 $0x1082;
	s9 =	sld [smem:$0x3FB0]  }
0x2f: {  	lr =	sadd.s32 s0, s3;
	s0 =	sld [smem:$0x3FA7]  }
0x30: {  	s3 =	sld [smem:$0x3FAA]  }
0x31: {  	[smem:$0x3FB3] =	sst s10  }
0x32: {  	s10 =	sld [smem:$0x3FB1];
	_ =	sdelay $0x3  }
0x33: {  	p0 =	seq.s32 s10, $0x1;
	s10 =	sld [smem:$0x3FB3];
	_ =	sdelay $0x3  }
0x34: {  	[smem:$0x3FB3] =	sst s10  }
0x35: {  	s10 =	sld [smem:$0x3FB2];
	_ =	sdelay $0x3  }
0x36: {  	p1 =	seq.s32 s10, $0x1;
	s10 =	sld [smem:$0x3FB3];
	_ =	sdelay $0x3  }
0x37: {  	[smem:$0x3FB3] =	sst s10  }
0x38: {  	s10 =	sld [smem:$0x3FB4]  }
0x39: {  	_ = 	snop;
	(pc) =	sbr.ind lr, $3  }
0x3a: {  	_ = 	snop  }
0x3b: {  	_ = 	snop  }
0x3c: {  	p2 =	seq.s32 s10, $0x1;
	s10 =	sld [smem:$0x3FB3]  }
0x3d: {  	_ =	shalt  }
0x3e: {  	_ =	shalt  }
0x3f: {  	_ =	shalt  }
0x40: {  	_ =	shalt  }
0x41: {  	_ =	shalt  }
0x42: {  	_ =	shalt  }
0x43: {  	_ =	shalt  }
0x44: {  	_ =	shalt  }
0x45: {  	_ =	shalt  }
0x46: {  	_ =	shalt  }
0x47: {  	_ =	shalt  }
0x48: {  	_ =	shalt  }
0x49: {  	_ =	shalt  }
0x4a: {  	_ =	shalt  }
0x4b: {  	_ =	shalt  }
0x4c: {  	_ =	shalt  }
0x4d: {  	_ =	shalt  }
0x4e: {  	_ =	shalt  }
0x4f: {  	_ =	shalt  }
0x50: {  	_ =	shalt  }
0x51: {  	_ =	shalt  }
0x52: {  	_ =	shalt  }
0x53: {  	_ =	shalt  }
0x54: {  	_ =	shalt  }
0x55: {  	_ =	shalt  }
0x56: {  	_ =	shalt  }
0x57: {  	_ =	shalt  }
0x58: {  	_ =	shalt  }
0x59: {  	_ =	shalt  }
0x5a: {  	_ =	shalt  }
0x5b: {  	_ =	shalt  }
0x5c: {  	_ =	shalt  }
0x5d: {  	_ =	shalt  }
0x5e: {  	_ =	shalt  }
0x5f: {  	_ =	shalt  }
0x60: {  	_ =	shalt  }
0x61: {  	_ =	shalt  }
0x62: {  	_ =	shalt  }
0x63: {  	_ =	shalt  }
0x64: {  	_ =	shalt  }
0x65: {  	_ =	shalt  }
0x66: {  	_ =	shalt  }
0x67: {  	_ =	shalt  }
0x68: {  	_ =	shalt  }
0x69: {  	_ =	shalt  }
0x6a: {  	_ =	shalt  }
0x6b: {  	_ =	shalt  }
0x6c: {  	_ =	shalt  }
0x6d: {  	_ =	shalt  }
0x6e: {  	_ =	shalt  }
0x6f: {  	_ =	shalt  }
0x70: {  	_ =	shalt  }
0x71: {  	_ =	shalt  }
0x72: {  	_ =	shalt  }
0x73: {  	_ =	shalt  }
0x74: {  	_ =	shalt  }
0x75: {  	_ =	shalt  }
0x76: {  	_ =	shalt  }
0x77: {  	_ =	shalt  }
0x78: {  	_ =	shalt  }
0x79: {  	_ =	shalt  }
0x7a: {  	_ =	shalt  }
0x7b: {  	_ =	shalt  }
0x7c: {  	_ =	shalt  }
0x7d: {  	_ =	shalt  }
0x7e: {  	_ =	shalt  }
0x7f: {  	_ =	shalt  }
0x80: {  	_ =	shalt  }
0x81: {  	_ =	shalt  }
0x82: {  	_ =	shalt  }
0x83: {  	_ =	shalt  }
0x84: {  	_ =	shalt  }
0x85: {  	_ =	shalt  }
0x86: {  	_ =	shalt  }
0x87: {  	_ =	shalt  }
.Lfunc_end0:
.L_simem_size_0:
called_computation_lowered:
.L_overlay_start_0:
0x88: {  	s2 =	sld [smem:$0x3FD9]  }
0x89: {  	s3 =	sld [smem:$0x3FFE];
	_ =	sdelay $0x1  }
0x8a: {  	s1 =	srdreg.scid  }
0x8b: {  	s0 =	sand.u32 $0x1, s1  }
0x8c: {  	s17 =	sshll.u32 s0, $0xA;
	s2 =	sadd.s32 s3, s2  }
0x8d: {  	s2 =	sadd.s32 s2, s17  }
0x8e: {  	[smem:$0x3FBF] =	sst s2  }
0x8f: {  	_ = 	snop  }
0x90: {  	s2 =	sld [smem:$0x3FD0];
	(tm) =	ssettm $0x1  }
0x91: {  	s18 =	sld [smem:$0x3FFB];
	_ =	sdelay $0x3  }
0x92: {  	_ =	strace s18  }
0x93: {  	s3 =	sld [smem:$0x3FFC];
	_ =	sdelay $0x3  }
0x94: {  	_ =	strace s3  }
0x95: {  	s3 =	sld [smem:$0x3FFD];
	_ =	sdelay $0x3  }
0x96: {  	_ =	strace s3  }
0x97: {  	_ =	strace $0x8FFFFFFF  }
0x98: {  	s19 =	sld [smem:$0x3FDB];
	_ =	sdelay $0x1  }
0x99: {  	s4 =	simm.s32 $_scs_section_size  }
0x9a: {  	s5 =	simm.s32 $_size__tile_overlayer_lowered;
	s6 =	simm.s32 $_tile_overlayer_lowered  }
0x9b: {  	s22 =	simm.s32 $0x1BFF;
	s21 =	sshll.u32 s6, $0x1;
	s3 =	sadd.s32 s4, s19  }
0x9c: {  	s7 =	simm.s32 $0x0;
	s20 =	sshll.u32 s5, $0x1;
	s5 =	sadd.s32 s21, s3  }
0x9d: {  	[timem:s7], [sflag:s22] =	dma.local [hbm:s5], s20  }
0x9e: {  	_ =	swait.ge [sflag:s22], s20  }
0x9f: {  	s4 =	ssub.s32 $0x0, s20;
	[sflag:s22] =	ssyncset.done $0x0  }
0xa0: {  	[sflag:s22] =	ssyncadd.s32 s4;
	_ =	sdelay $0x1  }
0xa1: {  	s23 =	simm.s32 $0x1B8B  }
0xa2: {  	_ =	swait.ge [sflag:s23], $0x1  }
0xa3: {  	[sflag:s23] =	ssyncset.done $0x0  }
0xa4: {  	s25 =	simm.s32 $0x1B8E;
	s24 =	sld [smem:$0x3FFE];
	[sflag:s23] =	ssyncadd.s32 $0xFFFFFFFF  }
0xa5: {  	s26 =	simm.s32 $execute0_lowered;
	[smem:$0x3FD2] =	sst s25  }
0xa6: {  	s5 =	sshll.u32 s26, $0x1;
	_ =	strace $0x80000046;
	[dreg:$0x1] =	wrdreg $0xFFFFFFFF  }
0xa7: {  	s28 =	simm.s32 $_size_execute0_lowered;
	s3 =	sadd.s32 s3, s5;
	[dreg:$0x0] =	wrdreg $0x0  }
0xa8: {  	s5 =	sshll.u32 s28, $0x1;
	[dreg:$0x2] =	wrdreg s3  }
0xa9: {  	[dreg:$0x3] =	wrdreg s5  }
0xaa: {  	[dreg:$0x4] =	wrdreg $0xC0  }
0xab: {  	_ =	task [dreg:s7], $0x5FFFF  }
0xac: {  	[dreg:$0x1] =	wrdreg $0xFFFFFFFF  }
0xad: {  	[dreg:$0x0] =	wrdreg $0x60  }
0xae: {  	[dreg:$0x2] =	wrdreg s2  }
0xaf: {  	[dreg:$0x3] =	wrdreg s24  }
0xb0: {  	[dreg:$0x4] =	wrdreg $0x9  }
0xb1: {  	_ =	task.clear_ibuf [dreg:s7], $0x5FFFF;
	_ =	strace $0x90000046  }
0xb2: {  	s29 =	simm.s32 $0x9;
	_ =	strace $0x80000048  }
0xb3: {  	_ =	swait.ge [sflag:s29], $0x1  }
0xb4: {  	[sflag:s29] =	ssyncadd.s32 $0xFFFFFFFF  }
0xb5: {  	_ =	strace $0x90000048  }
0xb6: {  	_ =	sfence  }
0xb7: {  	s30 =	sld [smem:$0x0];
	_ =	sdelay $0x2  }
0xb8: {  	s31 =	sshll.u32 s1, $0xD;
	s1 =	sshrl.u32 s1, $0x2  }
0xb9: {  	s3 =	sand.u32 $0x4000, s31;
	s1 =	sadd.s32 s1, s30  }
0xba: {  	s0 =	sor.u32 s3, s0;
	s1 =	sshll.u32 s1, $0x11  }
0xbb: {  	s0 =	sor.u32 s1, s0  }
0xbc: {  	s0 =	sadd.s32 $0x8F2B, s0  }
0xbd: {  	[sflag:s0] =	ssyncadd.remote.s32 $0x1  }
0xbe: {  	_ =	sfence.sel $0xFFFF  }
0xbf: {  	[dreg:$0x0] =	wrdreg $0xFFFFFFFF;
	(pc) =	sbr.abs _section_cstart, $3  }
0xc0: {  	[dreg:$0x1] =	wrdreg $0xFFFFFFFF  }
0xc1: {  	_ =	task.clear_ibuf [dreg:s7], $0x2FFFF;
	_ =	strace $0x9FFFFFFF  }
0xc2: {  	(tm) =	ssettm $0x7FFFFFFF  }
0xc3: {  	_ =	shalt  }
tec
execute0_lowered:
.L_overlay_start_1:
0x0: {  	(tag) =	ssettag $0x1  }
0x1: {  	s2 =	rddreg [dreg:$0x0];
	s0 =	srdreg.scid  }
0x2: {  	s11 =	stileid.u32;
	s1 =	rddreg [dreg:$0x1]  }
0x3: {  	s3 =	simm.s32 $0x0;
	s28 =	simm.s32 $0x9000;
	s30 =	simm.s32 $0x11000  }
0x4: {  	s31 =	simm.s32 $0x2;
	s0 =	sand.u32 $0x1, s0;
	s16 =	smul.u32 $0x28000, s11  }
0x5: {  	s29 =	simm.s32 $0x5;
	s4 =	sshll.u32 s11, $0x1;
	s19 =	smul.u32 $0xA0000, s0  }
0x6: {  	s5 =	sor.u32 s0, s4;
	s8 =	ssub.s32 $0x2, s0;
	s0 =	smul.u32 $0x14000, s0  }
0x7: {  	[smem:$0x7FF] =	sst s3;
	s7 =	sadd.s32 $0x3C800, s1;
	s6 =	smul.u32 $0x500, s5  }
0x8: {  	_ =	strace $0x80000047;
	s4 =	sadd.s32 $0x15600, s1;
	s10 =	smul.u32 $0x14000, s5  }
0x9: {  	s9 =	sshrl.u32 s8, $0x1;
	s5 =	smul.u32 $0xA0000, s5;
	s21 =	sadd.s32 s16, s7  }
0xa: {  	s8 =	ssub.s32 s8, s9;
	s6 =	sadd.s32 s6, s1;
	s1 =	sadd.s32 $0x2BC800, s1  }
0xb: {  	s13 =	sadd.s32 s7, s10;
	s15 =	sor.u32 $0x400, s10;
	s5 =	sshrl.u32 s5, $0x3  }
0xc: {  	s12 =	sadd.s32 $0x1600, s6;
	s6 =	sadd.s32 $0xB600, s6;
	[dreg:$0xb] =	wrdreg s13  }
0xd: {  	s14 =	sadd.s32 s1, s10;
	s10 =	sadd.s32 s7, s15;
	[dreg:$0x9] =	wrdreg s12  }
0xe: {  	s17 =	sadd.s32 $0x13800, s5;
	s5 =	sadd.s32 $0x13C00, s5;
	[dreg:$0xa] =	wrdreg s6  }
0xf: {  	s9 =	sadd.s32 s16, s1;
	s16 =	simm.s32 $0x9;
	[dreg:$0xc] =	wrdreg s14  }
0x10: {  	[dreg:$0xd] =	wrdreg s10;
	s14 =	smul.u32 $0x140000, s11;
	s6 =	sadd.s32 s1, s15  }
0x11: {  	s18 =	sadd.s32 s7, s17;
	s10 =	sadd.s32 s1, s17;
	[dreg:$0xe] =	wrdreg s6  }
0x12: {  	s20 =	sadd.s32 s7, s5;
	s5 =	sadd.s32 s1, s5;
	[dreg:$0xf] =	wrdreg s18  }
0x13: {  	s15 =	smax.u32 s8, $0x1;
	s17 =	simm.s32 $0x2800;
	[dreg:$0x10] =	wrdreg s10  }
0x14: {  	[dreg:$0x11] =	wrdreg s20;
	s10 =	sadd.s32 s0, s21;
	s0 =	sadd.s32 s0, s9  }
0x15: {  	[dreg:$0x12] =	wrdreg s5;
	s18 =	simm.s32 $0x40;
	s20 =	simm.s32 $0xD000  }
0x16: {  	s21 =	simm.s32 $0x6;
	s6 =	sadd.s32 s19, s14;
	[dreg:$0x3] =	wrdreg s10  }
0x17: {  	s5 =	simm.s32 $0x7;
	[dreg:$0x4] =	wrdreg s0;
	s14 =	sor.u32 $0x8000, s6  }
0x18: {  	s19 =	simm.s32 $0x5000;
	s6 =	sor.u32 $0xA000, s6;
	s22 =	sshrl.u32 s14, $0x3  }
0x19: {  	s0 =	simm.s32 $0xB000;
	s6 =	sshrl.u32 s6, $0x3;
	s23 =	sadd.s32 s22, s1  }
0x1a: {  	s24 =	sadd.s32 s22, s7;
	s25 =	sadd.s32 s6, s1;
	[dreg:$0x5] =	wrdreg s23  }
0x1b: {  	s26 =	sadd.s32 s6, s7;
	s22 =	simm.s32 $0x7000;
	[dreg:$0x6] =	wrdreg s24  }
0x1c: {  	s1 =	simm.s32 $0x4;
	s6 =	simm.s32 $0x8;
	[dreg:$0x7] =	wrdreg s25  }
0x1d: {  	s7 =	simm.s32 $0x0;
	[dreg:$0x8] =	wrdreg s26;
	s24 =	simm.s32 $0xF000  }
0x1e: {  	s25 =	simm.s32 $0x1;
	s23 =	simm.s32 $0x13000;
	s26 =	simm.s32 $0x3  }
.LBB2_1:
0x1f: {  	s8 =	rddreg [dreg:$0x9]  }
0x20: {  	[tilespmem:s3], [sflag:$0x9] =	stream.linear.gather [hbm4b:s8+s3], $0x2800, $0x38;
	[tilespmem:$0x15000] =	vst v63  }
0x21: {  	_ =	swait.ge [sflag:s16], $0x2800  }
0x22: {  	[sflag:s16] =	ssyncset.done $0x0  }
0x23: {  	s12 =	rddreg [dreg:$0xa];
	[sflag:s16] =	ssyncadd.s32 $0xFFFFD800  }
0x24: {  	[tilespmem:s17], [sflag:$0x9] =	stream.linear.gather [hbm4b:s12+s3], $0x2800, $0x38;
	[tilespmem:$0x15000] =	vst v63  }
0x25: {  	_ =	swait.ge [sflag:s16], $0x2800  }
0x26: {  	[sflag:s16] =	ssyncset.done $0x0  }
0x27: {  	[sflag:s16] =	ssyncadd.s32 $0xFFFFD800  }
0x28: {  	[tilespmem:s19], [sflag:$0x1] =	stream.indirect.gather [hbm4b:s2+s18], $0x80, s3, s18, $0xb8;
	[tilespmem:$0x15000] =	vst v63  }
0x29: {  	_ = 	snop  }
0x2a: {  	[tilespmem:s20], [sflag:$0x1] =	stream.indirect.gather [hbm4b:s4+s18], $0x80, s17, s18, $0xb8;
	[tilespmem:$0x15000] =	vst v63  }
0x2b: {  	s13 =	simm.s32 $0x80  }
0x2c: {  	[tilespmem:s22], [sflag:$0x2] =	stream.indirect.gather [hbm4b:s2+s18], $0x80, s13, s18, $0xb8;
	[tilespmem:$0x15000] =	vst v63  }
0x2d: {  	s14 =	simm.s32 $0x2880  }
0x2e: {  	[tilespmem:s24], [sflag:$0x2] =	stream.indirect.gather [hbm4b:s4+s18], $0x80, s14, s18, $0xb8;
	[tilespmem:$0x15000] =	vst v63  }
0x2f: {  	_ =	swait.ge [sflag:s25], $0x2000  }
0x30: {  	[sflag:s25] =	ssyncset.done $0x0  }
0x31: {  	[sflag:s25] =	ssyncadd.s32 $0xFFFFE000  }
0x32: {  	_ =	swait.ge [sflag:s25], $0x2000  }
0x33: {  	[sflag:s25] =	ssyncset.done $0x0  }
0x34: {  	s9 =	rddreg [dreg:$0xb];
	[sflag:s25] =	ssyncadd.s32 $0xFFFFE000  }
0x35: {  	[hbm4b:s9+s3] =	stream.linear.scatter [tilespmem:s19], [sflag:$0x5], $0x2000, $0x38;
	[tilespmem:$0x15000] =	vst v63  }
0x36: {  	s10 =	rddreg [dreg:$0xc]  }
0x37: {  	[hbm4b:s10+s3] =	stream.linear.scatter [tilespmem:s20], [sflag:$0x5], $0x2000, $0x38;
	[tilespmem:$0x15000] =	vst v63  }
0x38: {  	s11 =	simm.s32 $0x100  }
0x39: {  	[tilespmem:s28], [sflag:$0x3] =	stream.indirect.gather [hbm4b:s2+s18], $0x80, s11, s18, $0xb8;
	[tilespmem:$0x15000] =	vst v63  }
0x3a: {  	s12 =	simm.s32 $0x2900  }
0x3b: {  	[tilespmem:s30], [sflag:$0x3] =	stream.indirect.gather [hbm4b:s4+s18], $0x80, s12, s18, $0xb8;
	[tilespmem:$0x15000] =	vst v63  }
0x3c: {  	_ =	swait.ge [sflag:s31], $0x2000  }
0x3d: {  	[sflag:s31] =	ssyncset.done $0x0  }
0x3e: {  	[sflag:s31] =	ssyncadd.s32 $0xFFFFE000  }
0x3f: {  	_ =	swait.ge [sflag:s31], $0x2000  }
0x40: {  	[sflag:s31] =	ssyncset.done $0x0  }
0x41: {  	s13 =	rddreg [dreg:$0xd];
	[sflag:s31] =	ssyncadd.s32 $0xFFFFE000  }
0x42: {  	[hbm4b:s13+s3] =	stream.linear.scatter [tilespmem:s22], [sflag:$0x6], $0x2000, $0x38;
	[tilespmem:$0x15000] =	vst v63  }
0x43: {  	s14 =	rddreg [dreg:$0xe]  }
0x44: {  	[hbm4b:s14+s3] =	stream.linear.scatter [tilespmem:s24], [sflag:$0x6], $0x2000, $0x38;
	[tilespmem:$0x15000] =	vst v63  }
0x45: {  	s9 =	simm.s32 $0x180  }
0x46: {  	[tilespmem:s0], [sflag:$0x4] =	stream.indirect.gather [hbm4b:s2+s18], $0x80, s9, s18, $0xb8;
	[tilespmem:$0x15000] =	vst v63  }
0x47: {  	s10 =	simm.s32 $0x2980  }
0x48: {  	[tilespmem:s23], [sflag:$0x4] =	stream.indirect.gather [hbm4b:s4+s18], $0x80, s10, s18, $0xb8;
	[tilespmem:$0x15000] =	vst v63  }
0x49: {  	_ =	swait.ge [sflag:s26], $0x2000  }
0x4a: {  	[sflag:s26] =	ssyncset.done $0x0  }
0x4b: {  	[sflag:s26] =	ssyncadd.s32 $0xFFFFE000  }
0x4c: {  	_ =	swait.ge [sflag:s26], $0x2000  }
0x4d: {  	s11 =	rddreg [dreg:$0x3]  }
0x4e: {  	s9 =	rddreg [dreg:$0x4];
	[sflag:s26] =	ssyncset.done $0x0;
	s8 =	sadd.s32 $0x0, s11  }
0x4f: {  	[sflag:s26] =	ssyncadd.s32 $0xFFFFE000;
	s9 =	sadd.s32 $0x0, s9;
	s10 =	sadd.s32 $0x800, s8  }
0x50: {  	[hbm4b:s10+s3] =	stream.linear.scatter [tilespmem:s28], [sflag:$0x7], $0x2000, $0x38;
	[tilespmem:$0x15000] =	vst v63  }
0x51: {  	s12 =	sadd.s32 $0x800, s9  }
0x52: {  	[hbm4b:s12+s3] =	stream.linear.scatter [tilespmem:s30], [sflag:$0x7], $0x2000, $0x38;
	[tilespmem:$0x15000] =	vst v63  }
0x53: {  	_ =	swait.ge [sflag:s29], $0x2000  }
0x54: {  	[sflag:s29] =	ssyncset.done $0x0  }
0x55: {  	[sflag:s29] =	ssyncadd.s32 $0xFFFFE000  }
0x56: {  	_ =	swait.ge [sflag:s29], $0x2000  }
0x57: {  	[sflag:s29] =	ssyncset.done $0x0  }
0x58: {  	s13 =	simm.s32 $0x200;
	[sflag:s29] =	ssyncadd.s32 $0xFFFFE000  }
0x59: {  	[tilespmem:s19], [sflag:$0x1] =	stream.indirect.gather [hbm4b:s2+s18], $0x80, s13, s18, $0xb8;
	[tilespmem:$0x15000] =	vst v63  }
0x5a: {  	s14 =	simm.s32 $0x2A00  }
0x5b: {  	[tilespmem:s20], [sflag:$0x1] =	stream.indirect.gather [hbm4b:s4+s18], $0x80, s14, s18, $0xb8;
	[tilespmem:$0x15000] =	vst v63  }
0x5c: {  	_ =	swait.ge [sflag:s1], $0x2000  }
0x5d: {  	[sflag:s1] =	ssyncset.done $0x0  }
0x5e: {  	[sflag:s1] =	ssyncadd.s32 $0xFFFFE000  }
0x5f: {  	_ =	swait.ge [sflag:s1], $0x2000  }
0x60: {  	[sflag:s1] =	ssyncset.done $0x0  }
0x61: {  	s8 =	sadd.s32 $0xC00, s8;
	[sflag:s1] =	ssyncadd.s32 $0xFFFFE000  }
0x62: {  	[hbm4b:s8+s3] =	stream.linear.scatter [tilespmem:s0], [sflag:$0x8], $0x2000, $0x38;
	[tilespmem:$0x15000] =	vst v63  }
0x63: {  	s9 =	sadd.s32 $0xC00, s9  }
0x64: {  	[hbm4b:s9+s3] =	stream.linear.scatter [tilespmem:s23], [sflag:$0x8], $0x2000, $0x38;
	[tilespmem:$0x15000] =	vst v63  }
0x65: {  	_ =	swait.ge [sflag:s21], $0x2000  }
0x66: {  	[sflag:s21] =	ssyncset.done $0x0  }
0x67: {  	[sflag:s21] =	ssyncadd.s32 $0xFFFFE000  }
0x68: {  	_ =	swait.ge [sflag:s21], $0x2000  }
0x69: {  	[sflag:s21] =	ssyncset.done $0x0  }
0x6a: {  	s10 =	simm.s32 $0x280;
	[sflag:s21] =	ssyncadd.s32 $0xFFFFE000  }
0x6b: {  	[tilespmem:s22], [sflag:$0x2] =	stream.indirect.gather [hbm4b:s2+s18], $0x80, s10, s18, $0xb8;
	[tilespmem:$0x15000] =	vst v63  }
0x6c: {  	s11 =	simm.s32 $0x2A80  }
0x6d: {  	[tilespmem:s24], [sflag:$0x2] =	stream.indirect.gather [hbm4b:s4+s18], $0x80, s11, s18, $0xb8;
	[tilespmem:$0x15000] =	vst v63  }
0x6e: {  	_ =	swait.ge [sflag:s25], $0x2000  }
0x6f: {  	[sflag:s25] =	ssyncset.done $0x0  }
0x70: {  	[sflag:s25] =	ssyncadd.s32 $0xFFFFE000  }
0x71: {  	_ =	swait.ge [sflag:s25], $0x2000  }
0x72: {  	s12 =	rddreg [dreg:$0x6];
	[sflag:s25] =	ssyncset.done $0x0  }
0x73: {  	s13 =	rddreg [dreg:$0x5];
	[sflag:s25] =	ssyncadd.s32 $0xFFFFE000;
	s8 =	sadd.s32 $0x0, s12  }
0x74: {  	[hbm4b:s8+s3] =	stream.linear.scatter [tilespmem:s19], [sflag:$0x5], $0x2000, $0x38;
	[tilespmem:$0x15000] =	vst v63  }
0x75: {  	s14 =	sadd.s32 $0x0, s13  }
0x76: {  	[hbm4b:s14+s3] =	stream.linear.scatter [tilespmem:s20], [sflag:$0x5], $0x2000, $0x38;
	[tilespmem:$0x15000] =	vst v63  }
0x77: {  	_ =	swait.ge [sflag:s5], $0x2000  }
0x78: {  	[sflag:s5] =	ssyncset.done $0x0  }
0x79: {  	[sflag:s5] =	ssyncadd.s32 $0xFFFFE000  }
0x7a: {  	_ =	swait.ge [sflag:s5], $0x2000  }
0x7b: {  	[sflag:s5] =	ssyncset.done $0x0  }
0x7c: {  	s9 =	simm.s32 $0x300;
	[sflag:s5] =	ssyncadd.s32 $0xFFFFE000  }
0x7d: {  	[tilespmem:s28], [sflag:$0x3] =	stream.indirect.gather [hbm4b:s2+s18], $0x80, s9, s18, $0xb8;
	[tilespmem:$0x15000] =	vst v63  }
0x7e: {  	s10 =	simm.s32 $0x2B00  }
0x7f: {  	[tilespmem:s30], [sflag:$0x3] =	stream.indirect.gather [hbm4b:s4+s18], $0x80, s10, s18, $0xb8;
	[tilespmem:$0x15000] =	vst v63  }
0x80: {  	_ =	swait.ge [sflag:s31], $0x2000  }
0x81: {  	[sflag:s31] =	ssyncset.done $0x0  }
0x82: {  	[sflag:s31] =	ssyncadd.s32 $0xFFFFE000  }
0x83: {  	_ =	swait.ge [sflag:s31], $0x2000  }
0x84: {  	s11 =	rddreg [dreg:$0x8];
	[sflag:s31] =	ssyncset.done $0x0  }
0x85: {  	s12 =	rddreg [dreg:$0x7];
	[sflag:s31] =	ssyncadd.s32 $0xFFFFE000;
	s8 =	sadd.s32 $0x0, s11  }
0x86: {  	[hbm4b:s8+s3] =	stream.linear.scatter [tilespmem:s22], [sflag:$0x6], $0x2000, $0x38;
	[tilespmem:$0x15000] =	vst v63  }
0x87: {  	s13 =	sadd.s32 $0x0, s12  }
0x88: {  	[hbm4b:s13+s3] =	stream.linear.scatter [tilespmem:s24], [sflag:$0x6], $0x2000, $0x38;
	[tilespmem:$0x15000] =	vst v63  }
0x89: {  	_ =	swait.ge [sflag:s6], $0x2000  }
0x8a: {  	[sflag:s6] =	ssyncset.done $0x0  }
0x8b: {  	[sflag:s6] =	ssyncadd.s32 $0xFFFFE000  }
0x8c: {  	_ =	swait.ge [sflag:s6], $0x2000  }
0x8d: {  	s14 =	simm.s32 $0x380;
	s9 =	simm.s32 $0x0;
	[sflag:s6] =	ssyncset.done $0x0  }
0x8e: {  	s10 =	simm.s32 $0x2B80;
	s8 =	simm.s32 $0x800;
	[sflag:s6] =	ssyncadd.s32 $0xFFFFE000  }
0x8f: {  	[tilespmem:s0], [sflag:$0x4] =	stream.indirect.gather [hbm4b:s2+s18], $0x80, s14, s18, $0xb8;
	[tilespmem:$0x15000] =	vst v63  }
.LBB2_2:
0x90: {  	[tilespmem:s23], [sflag:$0x4] =	stream.indirect.gather [hbm4b:s4+s18], $0x80, s10, s18, $0xb8;
	[tilespmem:$0x15000] =	vst v63  }
0x91: {  	_ =	swait.ge [sflag:s26], $0x2000  }
0x92: {  	[sflag:s26] =	ssyncset.done $0x0  }
0x93: {  	[sflag:s26] =	ssyncadd.s32 $0xFFFFE000  }
0x94: {  	_ =	swait.ge [sflag:s26], $0x2000  }
0x95: {  	s9 =	sadd.s32 $0x1000, s9;
	s13 =	rddreg [dreg:$0x3]  }
0x96: {  	s12 =	rddreg [dreg:$0x4];
	[sflag:s26] =	ssyncset.done $0x0;
	s13 =	sadd.s32 s9, s13  }
0x97: {  	[sflag:s26] =	ssyncadd.s32 $0xFFFFE000;
	s12 =	sadd.s32 s9, s12;
	s10 =	sadd.s32 $0x800, s13  }
0x98: {  	[hbm4b:s10+s3] =	stream.linear.scatter [tilespmem:s28], [sflag:$0x7], $0x2000, $0x38;
	[tilespmem:$0x15000] =	vst v63  }
0x99: {  	s14 =	sadd.s32 $0x800, s12  }
0x9a: {  	[hbm4b:s14+s3] =	stream.linear.scatter [tilespmem:s30], [sflag:$0x7], $0x2000, $0x38;
	[tilespmem:$0x15000] =	vst v63  }
0x9b: {  	_ =	swait.ge [sflag:s29], $0x2000  }
0x9c: {  	[sflag:s29] =	ssyncset.done $0x0  }
0x9d: {  	[sflag:s29] =	ssyncadd.s32 $0xFFFFE000  }
0x9e: {  	s11 =	smov.u32 s8;
	_ =	swait.ge [sflag:s29], $0x2000  }
0x9f: {  	s10 =	sshra.s32 s11, $0x2;
	[sflag:s29] =	ssyncset.done $0x0  }
0xa0: {  	s11 =	sadd.s32 $0x200, s10;
	[sflag:s29] =	ssyncadd.s32 $0xFFFFE000  }
0xa1: {  	[tilespmem:s19], [sflag:$0x1] =	stream.indirect.gather [hbm4b:s2+s18], $0x80, s11, s18, $0xb8;
	[tilespmem:$0x15000] =	vst v63  }
0xa2: {  	s14 =	sadd.s32 $0x2A00, s10  }
0xa3: {  	[tilespmem:s20], [sflag:$0x1] =	stream.indirect.gather [hbm4b:s4+s18], $0x80, s14, s18, $0xb8;
	[tilespmem:$0x15000] =	vst v63  }
0xa4: {  	_ =	swait.ge [sflag:s1], $0x2000  }
0xa5: {  	[sflag:s1] =	ssyncset.done $0x0  }
0xa6: {  	[sflag:s1] =	ssyncadd.s32 $0xFFFFE000  }
0xa7: {  	_ =	swait.ge [sflag:s1], $0x2000  }
0xa8: {  	[sflag:s1] =	ssyncset.done $0x0  }
0xa9: {  	s14 =	sadd.s32 $0xC00, s13;
	[sflag:s1] =	ssyncadd.s32 $0xFFFFE000  }
0xaa: {  	[hbm4b:s14+s3] =	stream.linear.scatter [tilespmem:s0], [sflag:$0x8], $0x2000, $0x38;
	[tilespmem:$0x15000] =	vst v63  }
0xab: {  	s12 =	sadd.s32 $0xC00, s12  }
0xac: {  	[hbm4b:s12+s3] =	stream.linear.scatter [tilespmem:s23], [sflag:$0x8], $0x2000, $0x38;
	[tilespmem:$0x15000] =	vst v63  }
0xad: {  	_ =	swait.ge [sflag:s21], $0x2000  }
0xae: {  	[sflag:s21] =	ssyncset.done $0x0  }
0xaf: {  	[sflag:s21] =	ssyncadd.s32 $0xFFFFE000  }
0xb0: {  	_ =	swait.ge [sflag:s21], $0x2000  }
0xb1: {  	[sflag:s21] =	ssyncset.done $0x0  }
0xb2: {  	s13 =	sadd.s32 $0x280, s10;
	[sflag:s21] =	ssyncadd.s32 $0xFFFFE000  }
0xb3: {  	[tilespmem:s22], [sflag:$0x2] =	stream.indirect.gather [hbm4b:s2+s18], $0x80, s13, s18, $0xb8;
	[tilespmem:$0x15000] =	vst v63  }
0xb4: {  	s14 =	sadd.s32 $0x2A80, s10  }
0xb5: {  	[tilespmem:s24], [sflag:$0x2] =	stream.indirect.gather [hbm4b:s4+s18], $0x80, s14, s18, $0xb8;
	[tilespmem:$0x15000] =	vst v63  }
0xb6: {  	_ =	swait.ge [sflag:s25], $0x2000  }
0xb7: {  	[sflag:s25] =	ssyncset.done $0x0  }
0xb8: {  	[sflag:s25] =	ssyncadd.s32 $0xFFFFE000  }
0xb9: {  	_ =	swait.ge [sflag:s25], $0x2000  }
0xba: {  	s13 =	rddreg [dreg:$0x6];
	[sflag:s25] =	ssyncset.done $0x0  }
0xbb: {  	s14 =	rddreg [dreg:$0x5];
	[sflag:s25] =	ssyncadd.s32 $0xFFFFE000;
	s11 =	sadd.s32 s9, s13  }
0xbc: {  	[hbm4b:s11+s3] =	stream.linear.scatter [tilespmem:s19], [sflag:$0x5], $0x2000, $0x38;
	[tilespmem:$0x15000] =	vst v63  }
0xbd: {  	s12 =	sadd.s32 s9, s14  }
0xbe: {  	[hbm4b:s12+s3] =	stream.linear.scatter [tilespmem:s20], [sflag:$0x5], $0x2000, $0x38;
	[tilespmem:$0x15000] =	vst v63  }
0xbf: {  	_ =	swait.ge [sflag:s5], $0x2000  }
0xc0: {  	[sflag:s5] =	ssyncset.done $0x0  }
0xc1: {  	[sflag:s5] =	ssyncadd.s32 $0xFFFFE000  }
0xc2: {  	_ =	swait.ge [sflag:s5], $0x2000  }
0xc3: {  	[sflag:s5] =	ssyncset.done $0x0  }
0xc4: {  	s13 =	sadd.s32 $0x300, s10;
	[sflag:s5] =	ssyncadd.s32 $0xFFFFE000  }
0xc5: {  	[tilespmem:s28], [sflag:$0x3] =	stream.indirect.gather [hbm4b:s2+s18], $0x80, s13, s18, $0xb8;
	[tilespmem:$0x15000] =	vst v63  }
0xc6: {  	s14 =	sadd.s32 $0x2B00, s10  }
0xc7: {  	[tilespmem:s30], [sflag:$0x3] =	stream.indirect.gather [hbm4b:s4+s18], $0x80, s14, s18, $0xb8;
	[tilespmem:$0x15000] =	vst v63  }
0xc8: {  	_ =	swait.ge [sflag:s31], $0x2000  }
0xc9: {  	[sflag:s31] =	ssyncset.done $0x0  }
0xca: {  	[sflag:s31] =	ssyncadd.s32 $0xFFFFE000  }
0xcb: {  	_ =	swait.ge [sflag:s31], $0x2000  }
0xcc: {  	s13 =	rddreg [dreg:$0x8];
	[sflag:s31] =	ssyncset.done $0x0  }
0xcd: {  	s14 =	rddreg [dreg:$0x7];
	[sflag:s31] =	ssyncadd.s32 $0xFFFFE000;
	s11 =	sadd.s32 s9, s13  }
0xce: {  	[hbm4b:s11+s3] =	stream.linear.scatter [tilespmem:s22], [sflag:$0x6], $0x2000, $0x38;
	[tilespmem:$0x15000] =	vst v63  }
0xcf: {  	s13 =	sadd.s32 s9, s14  }
0xd0: {  	[hbm4b:s13+s3] =	stream.linear.scatter [tilespmem:s24], [sflag:$0x6], $0x2000, $0x38;
	[tilespmem:$0x15000] =	vst v63  }
0xd1: {  	_ =	swait.ge [sflag:s6], $0x2000  }
0xd2: {  	p0 =	sne.s32 s8, $0x9000;
	[sflag:s6] =	ssyncset.done $0x0  }
.Ltmp0:
0xd3: {  	[sflag:s6] =	ssyncadd.s32 $0xFFFFE000;
	(pc) =	sbr.rel @p0 .LBB2_2-.Ltmp0, $4  }
0xd4: {  	_ =	swait.ge [sflag:s6], $0x2000  }
0xd5: {  	s8 =	sadd.s32 $0x800, s8;
	[sflag:s6] =	ssyncset.done $0x0  }
0xd6: {  	s14 =	sadd.s32 $0x380, s10;
	s10 =	sadd.s32 $0x2B80, s10;
	[sflag:s6] =	ssyncadd.s32 $0xFFFFE000  }
0xd7: {  	[tilespmem:s0], [sflag:$0x4] =	stream.indirect.gather [hbm4b:s2+s18], $0x80, s14, s18, $0xb8;
	[tilespmem:$0x15000] =	vst v63  }
0xd8: {  	[tilespmem:s23], [sflag:$0x4] =	stream.indirect.gather [hbm4b:s4+s18], $0x80, s10, s18, $0xb8;
	[tilespmem:$0x15000] =	vst v63  }
0xd9: {  	_ =	swait.ge [sflag:s26], $0x2000  }
0xda: {  	[sflag:s26] =	ssyncset.done $0x0  }
0xdb: {  	[sflag:s26] =	ssyncadd.s32 $0xFFFFE000  }
0xdc: {  	_ =	swait.ge [sflag:s26], $0x2000  }
0xdd: {  	[sflag:s26] =	ssyncset.done $0x0  }
0xde: {  	s8 =	rddreg [dreg:$0xf];
	[sflag:s26] =	ssyncadd.s32 $0xFFFFE000  }
0xdf: {  	[hbm4b:s8+s3] =	stream.linear.scatter [tilespmem:s28], [sflag:$0x7], $0x2000, $0x38;
	[tilespmem:$0x15000] =	vst v63  }
0xe0: {  	s12 =	rddreg [dreg:$0x10]  }
0xe1: {  	[hbm4b:s12+s3] =	stream.linear.scatter [tilespmem:s30], [sflag:$0x7], $0x2000, $0x38;
	[tilespmem:$0x15000] =	vst v63  }
0xe2: {  	_ =	swait.ge [sflag:s1], $0x2000  }
0xe3: {  	[sflag:s1] =	ssyncset.done $0x0  }
0xe4: {  	[sflag:s1] =	ssyncadd.s32 $0xFFFFE000  }
0xe5: {  	_ =	swait.ge [sflag:s1], $0x2000  }
0xe6: {  	[sflag:s1] =	ssyncset.done $0x0  }
0xe7: {  	s13 =	rddreg [dreg:$0x11];
	[sflag:s1] =	ssyncadd.s32 $0xFFFFE000  }
0xe8: {  	[hbm4b:s13+s3] =	stream.linear.scatter [tilespmem:s0], [sflag:$0x8], $0x2000, $0x38;
	[tilespmem:$0x15000] =	vst v63  }
0xe9: {  	s14 =	rddreg [dreg:$0x12]  }
0xea: {  	[hbm4b:s14+s3] =	stream.linear.scatter [tilespmem:s23], [sflag:$0x8], $0x2000, $0x38;
	[tilespmem:$0x15000] =	vst v63  }
0xeb: {  	_ =	swait.ge [sflag:s29], $0x2000  }
0xec: {  	[sflag:s29] =	ssyncset.done $0x0  }
0xed: {  	[sflag:s29] =	ssyncadd.s32 $0xFFFFE000  }
0xee: {  	_ =	swait.ge [sflag:s29], $0x2000  }
0xef: {  	[sflag:s29] =	ssyncset.done $0x0  }
0xf0: {  	[sflag:s29] =	ssyncadd.s32 $0xFFFFE000  }
0xf1: {  	_ =	swait.ge [sflag:s21], $0x2000  }
0xf2: {  	[sflag:s21] =	ssyncset.done $0x0  }
0xf3: {  	[sflag:s21] =	ssyncadd.s32 $0xFFFFE000  }
0xf4: {  	_ =	swait.ge [sflag:s21], $0x2000  }
0xf5: {  	[sflag:s21] =	ssyncset.done $0x0  }
0xf6: {  	[sflag:s21] =	ssyncadd.s32 $0xFFFFE000  }
0xf7: {  	_ =	swait.ge [sflag:s5], $0x2000  }
0xf8: {  	[sflag:s5] =	ssyncset.done $0x0  }
0xf9: {  	[sflag:s5] =	ssyncadd.s32 $0xFFFFE000  }
0xfa: {  	_ =	swait.ge [sflag:s5], $0x2000  }
0xfb: {  	[sflag:s5] =	ssyncset.done $0x0  }
0xfc: {  	s7 =	sadd.s32 $0x1, s7;
	[sflag:s5] =	ssyncadd.s32 $0xFFFFE000  }
0xfd: {  	p0 =	sne.s32 s7, s15;
	_ =	swait.ge [sflag:s6], $0x2000  }
.Ltmp1:
0xfe: {  	[sflag:s6] =	ssyncset.done $0x0;
	(pc) =	sbr.rel @p0 .LBB2_1-.Ltmp1, $4  }
0xff: {  	[sflag:s6] =	ssyncadd.s32 $0xFFFFE000  }
0x100: {  	_ =	swait.ge [sflag:s6], $0x2000  }
0x101: {  	[sflag:s6] =	ssyncset.done $0x0  }
0x102: {  	[sflag:s6] =	ssyncadd.s32 $0xFFFFE000  }
0x103: {  	_ =	sfence.sel $0x180000  }
0x104: {  	[bflag:$0x0] =	sbarrier.arrive $0xFFFF  }
0x105: {  	_ =	strace $0x90000047  }
0x106: {  	s0 =	stileid.u32;
	[bflag:$0x2] =	sbarrier.arrive $0xFFFF  }
0x107: {  	p0 =	sne.s32 s0, $0x0;
	s0 =	rddreg [dreg:$0x2]  }
0x108: {  	s0 =	sadd.s32 @!p0 $0x100000, s0  }
0x109: {  	[sflag:s0] =	ssyncadd.tile.s32 @!p0 $0x1;
	_ =	shalt  }
.Lfunc_end2:
_tile_overlayer_lowered:
.L_overlay_start_2:
0x10a: {  	(tag) =	ssettag $0x2  }
0x10b: {  	s0 =	rddreg [dreg:$0x0];
	s2 =	stileid.u32  }
0x10c: {  	s1 =	rddreg [dreg:$0x1];
	p0 =	sne.s32 s2, $0x0  }
0x10d: {  	s3 =	rddreg [dreg:$0x2];
	[bflag:$0x3] =	sbarrier.arrive $0xFFFF;
	s2 =	simm.s32 @!p0 $0x1C09  }
0x10e: {  	[timem:s3], [sflag:s2] =	dma.local @!p0 [hbm:s0], s1  }
0x10f: {  	s0 =	simm.s32 @!p0 $0x9  }
0x110: {  	_ =	swait.ge @!p0 [sflag:s0], s1  }
0x111: {  	s1 =	ssub.s32 @!p0 $0x0, s1;
	[sflag:s0] =	ssyncset.done @!p0 $0x0  }
0x112: {  	[sflag:s0] =	ssyncadd.s32 @!p0 s1  }
0x113: {  	[bflag:$0x3] =	sbarrier.arrive $0xFFFF  }
0x114: {  	_ =	shalt  }

</sc_bundles>
